<compile_context>
chip_gen: v7x
topology: tpu7x:2x2x1
jax: 0.10.2.dev20260603
libtpu: 0.0.44.dev20260713+nightly
codegen_flags: <defaults>
</compile_context>

<pallas_src>
import dataclasses
import functools

import jax
import jax.numpy as jnp
from jax import lax
from jax.experimental import pallas as pl
from jax.experimental.pallas import tpu as pltpu
from jax.experimental.pallas import tpu_sc as plsc

_NC = 2
_NS = 16
_NW = _NC * _NS
_L = 16


def _sc_compiler_params():
    cp = pltpu.CompilerParams()
    if "needs_layout_passes" in pltpu.CompilerParams.__dataclass_fields__:
        cp = dataclasses.replace(cp, needs_layout_passes=False)
    return cp


def _xwT_call(x, W, n, d_in, d_hid):

    def body(x_ref, w_ref, o_ref):
        xw = jnp.dot(x_ref[...], w_ref[...], preferred_element_type=jnp.float32)
        o_ref[...] = xw.T

    return pl.pallas_call(
        body,
        out_shape=jax.ShapeDtypeStruct((d_hid, n), jnp.float32),
    )(x, W)


def _edge_chunk(e):
    tiles128 = e // 128
    base_t = tiles128 // _NW
    rem = tiles128 - base_t * _NW
    return base_t * 128, rem


def _sc_degree_call(edges2, n, e):
    base_len, rem = _edge_chunk(e)
    big_len = base_len + 128
    mesh = plsc.VectorSubcoreMesh(
        core_axis_name="c", subcore_axis_name="s",
        num_cores=_NC, num_subcores=_NS)

    n_pad = _pad_up(n, 1024)

    @functools.partial(
        pl.kernel,
        out_type=jax.ShapeDtypeStruct((_NW, n_pad), jnp.float32),
        mesh=mesh,
        scratch_types=[
            pltpu.VMEM((2, big_len), jnp.int32),
            pltpu.VMEM((n_pad,), jnp.float32),
            pltpu.SemaphoreType.DMA,
        ],
        compiler_params=_sc_compiler_params(),
    )
    def hist_kernel(edges_hbm, out_hbm, slab_v, hist_v, sem):
        cid = lax.axis_index("c")
        sid = lax.axis_index("s")
        wid = cid * _NS + sid
        base = wid * base_len + jnp.minimum(wid, rem) * 128
        zeros = jnp.zeros((_L,), jnp.float32)
        ones = jnp.ones((_L,), jnp.float32)

        def work(clen):
            cp = pltpu.async_copy(
                edges_hbm.at[:, pl.ds(base, clen)],
                slab_v.at[:, pl.ds(0, clen)], sem)

            @plsc.parallel_loop(0, n_pad, step=_L, unroll=8)
            def _(i):
                hist_v[pl.ds(i, _L)] = zeros

            cp.wait()

            @plsc.parallel_loop(0, clen, step=_L, unroll=8)
            def _(i):
                d = slab_v[1, pl.ds(i, _L)]
                plsc.addupdate_scatter(hist_v, [d], ones)

        @pl.when(wid < rem)
        def _():
            work(big_len)

        @pl.when(wid >= rem)
        def _():
            work(base_len)

        pltpu.sync_copy(hist_v, out_hbm.at[wid])

    return hist_kernel(edges2)


def _pad_up(v, m):
    return ((v + m - 1) // m) * m


def _dinv_y_call(deg_part, xwT, n, d_hid):

    def body(dp_ref, xwT_ref, y_ref, yflat_ref, dinv_ref):
        deg = jnp.sum(dp_ref[:, :n], axis=0) + 1.0
        dinv = lax.rsqrt(deg)
        dinv_ref[...] = dinv[None, :]
        y = xwT_ref[...] * dinv[None, :]
        y_ref[...] = y
        for c in range(d_hid):
            yflat_ref[pl.ds(c * n, n)] = y[c]

    return pl.pallas_call(
        body,
        out_shape=[
            jax.ShapeDtypeStruct((d_hid, n), jnp.float32),
            jax.ShapeDtypeStruct((d_hid * n,), jnp.float32),
            jax.ShapeDtypeStruct((1, n), jnp.float32),
        ],
    )(deg_part, xwT)


def _sc_msgpass_call(edges2, y_flat, n, e, d_hid):
    base_len, rem = _edge_chunk(e)
    big_len = base_len + 128
    fn = d_hid * n
    p_stride = _pad_up(n, 1024)
    fn_pad = d_hid * p_stride
    mesh = plsc.VectorSubcoreMesh(
        core_axis_name="c", subcore_axis_name="s",
        num_cores=_NC, num_subcores=_NS)

    @functools.partial(
        pl.kernel,
        out_type=jax.ShapeDtypeStruct((_NW, fn_pad), jnp.float32),
        mesh=mesh,
        scratch_types=[
            pltpu.VMEM((2, big_len), jnp.int32),
            pltpu.VMEM((fn,), jnp.float32),
            pltpu.VMEM((fn_pad,), jnp.float32),
            pltpu.SemaphoreType.DMA,
        ],
        compiler_params=_sc_compiler_params(),
    )
    def msg_kernel(edges_hbm, y_hbm, out_hbm,
                   slab_v, y_v, agg_v, sem):
        cid = lax.axis_index("c")
        sid = lax.axis_index("s")
        wid = cid * _NS + sid
        base = wid * base_len + jnp.minimum(wid, rem) * 128
        zeros = jnp.zeros((_L,), jnp.float32)
        nvec = jnp.full((_L,), n, jnp.int32)
        pvec = jnp.full((_L,), p_stride, jnp.int32)

        def work(clen):
            cp1 = pltpu.async_copy(
                edges_hbm.at[:, pl.ds(base, clen)],
                slab_v.at[:, pl.ds(0, clen)], sem)
            cp3 = pltpu.async_copy(y_hbm, y_v, sem)

            @plsc.parallel_loop(0, fn_pad, step=_L, unroll=8)
            def _(i):
                agg_v[pl.ds(i, _L)] = zeros

            cp1.wait()
            cp3.wait()

            @plsc.parallel_loop(0, clen, step=_L, unroll=8)
            def _(i):
                s0 = slab_v[0, pl.ds(i, _L)]
                d0 = slab_v[1, pl.ds(i, _L)]
                s1 = s0 + nvec
                s2 = s1 + nvec
                d1 = d0 + pvec
                d2 = d1 + pvec
                v0 = plsc.load_gather(y_v, [s0])
                v1 = plsc.load_gather(y_v, [s1])
                v2 = plsc.load_gather(y_v, [s2])
                plsc.addupdate_scatter(agg_v, [d0], v0)
                plsc.addupdate_scatter(agg_v, [d1], v1)
                plsc.addupdate_scatter(agg_v, [d2], v2)

        @pl.when(wid < rem)
        def _():
            work(big_len)

        @pl.when(wid >= rem)
        def _():
            work(base_len)

        pltpu.sync_copy(agg_v, out_hbm.at[wid])

    return msg_kernel(edges2, y_flat)


def _final_call(agg_part, y, dinv, b, W_lin, b_lin, n, p_stride, d_hid,
                d_out):

    def body(ap_ref, y_ref, dinv_ref, b_ref, wl_ref, bl_ref, h_ref, z_ref):
        accr = jnp.sum(ap_ref[...], axis=0, keepdims=True)
        aggs = jnp.concatenate(
            [accr[:, c * p_stride:c * p_stride + n]
             for c in range(d_hid)], axis=0)
        dinv = dinv_ref[...]
        aggc = (aggs + y_ref[...]) * dinv
        b_col = b_ref[...].reshape(d_hid, 1)
        h_cols = jnp.maximum(aggc + b_col, 0.0)
        z_cols = lax.dot_general(
            wl_ref[...], h_cols, (((0,), (0,)), ((), ())),
            preferred_element_type=jnp.float32)
        z_cols = z_cols + bl_ref[...].reshape(d_out, 1)
        h_ref[...] = h_cols
        z_ref[...] = z_cols

    return pl.pallas_call(
        body,
        out_shape=[
            jax.ShapeDtypeStruct((d_hid, n), jnp.float32),
            jax.ShapeDtypeStruct((d_out, n), jnp.float32),
        ],
    )(agg_part, y, dinv, b, W_lin, b_lin)


def kernel(x, edges, W, b, W_lin, b_lin):
    n, d_in = x.shape
    d_hid = W.shape[1]
    d_out = W_lin.shape[1]
    e = edges.shape[1]
    assert e % 128 == 0 and n % _L == 0

    edges = edges.astype(jnp.int32)

    xwT = _xwT_call(x, W, n, d_in, d_hid)
    deg_part = _sc_degree_call(edges, n, e)
    y, y_flat, dinv = _dinv_y_call(deg_part, xwT, n, d_hid)
    agg_part = _sc_msgpass_call(edges, y_flat, n, e, d_hid)
    p_stride = agg_part.shape[1] // d_hid
    h_cols, z_cols = _final_call(agg_part, y, dinv, b, W_lin,
                                 b_lin, n, p_stride, d_hid, d_out)
    return (h_cols.T, z_cols.T)

# --- scband reference (transcript-rebuilt; emitter-appended) ---
"""Pipeline reference for scband-gcn-80530636800664 (READ-ONLY COPY).

The authoritative reference and input builder live on the scoring server;
editing this copy changes nothing except your own understanding.
"""

import jax, jax.numpy as jnp
import numpy as np

N_NODES = 10000
N_EDGES = 320000
D_IN = 128
D_HID = 3
D_OUT = 4


def setup_inputs(seed: int = 0) -> dict:
    key = jax.random.key(seed)
    k1, k2, k3, k4, k5, k6 = jax.random.split(key, 6)
    x = jax.random.normal(k1, (N_NODES, D_IN), dtype=jnp.float32)
    edges = jax.random.randint(k2, (2, N_EDGES), 0, N_NODES, dtype=jnp.int64)
    W = jax.random.normal(k3, (D_IN, D_HID), dtype=jnp.float32) * (1.0 / np.sqrt(D_IN))
    b = jnp.zeros((D_HID,), dtype=jnp.float32)
    W_lin = jax.random.normal(k4, (D_HID, D_OUT), dtype=jnp.float32) * (1.0 / np.sqrt(D_HID))
    b_lin = jax.random.normal(k5, (D_OUT,), dtype=jnp.float32) * 0.01
    return {"x": x, "edges": edges, "W": W, "b": b, "W_lin": W_lin, "b_lin": b_lin}


def reference(x, edges, W, b, W_lin, b_lin):
    # GCNConv (PyG semantics): add self-loops, symmetric D^{-1/2} A D^{-1/2} normalization
    n = x.shape[0]
    loop = jnp.arange(n, dtype=edges.dtype)
    src = jnp.concatenate([edges[0], loop])
    dst = jnp.concatenate([edges[1], loop])
    deg = jnp.zeros((n,), dtype=x.dtype).at[dst].add(1.0)
    dinv = jnp.where(deg > 0, 1.0 / jnp.sqrt(deg), 0.0)
    norm = dinv[src] * dinv[dst]
    xw = x @ W
    msgs = xw[src] * norm[:, None]
    agg = jax.ops.segment_sum(msgs, dst, num_segments=n) + b
    h = jax.nn.relu(agg)
    z = h @ W_lin + b_lin
    return (h, z)

if __name__ == "__main__":
    import jax
    _d = setup_inputs()
    print(jax.jit(kernel)(*tuple(_d.values())))

</pallas_src>

<mosaic_0001>
#map = affine_map<(d0, d1) -> (0, 0)>
module attributes {stable_mosaic.version = 14 : i64} {
  func.func @hist_kernel(%arg0: i32, %arg1: i32, %arg2: memref<2x320000xi32, #tpu.memory_space<hbm>>, %arg3: memref<32x10240xf32, #tpu.memory_space<hbm>>, %arg4: memref<2x10112xi32, #tpu.memory_space<vmem>>, %arg5: memref<10240xf32, #tpu.memory_space<vmem>>, %arg6: memref<!tpu.dma_semaphore, #tpu.memory_space<semaphore_mem>>) attributes {dimension_semantics = [#tpu.dimension_semantics<core_parallel>, #tpu.dimension_semantics<subcore_parallel>], iteration_bounds = array<i64: 2, 16>, scalar_prefetch = 0 : i64, scratch_operands = 3 : i64, tpu.core_type = #tpu.core_type<sc_vector_subcore>, window_params = [{transform_indices = #map}, {transform_indices = #map}]} {
    %mul3A = arith.constant 16 : i32
    %mul3A_0 = arith.muli %arg0, %mul3A : i32
    %add3A = arith.addi %mul3A_0, %arg1 : i32
    %mul3A_1 = arith.constant 9984 : i32
    %mul3A_2 = arith.muli %add3A, %mul3A_1 : i32
    %min3A = arith.constant 4 : i32
    %min3A_3 = arith.minsi %add3A, %min3A : i32
    %mul3A_4 = arith.constant 128 : i32
    %mul3A_5 = arith.muli %min3A_3, %mul3A_4 : i32
    %add3A_6 = arith.addi %mul3A_2, %mul3A_5 : i32
    %broadcast_in_dim3A = arith.constant 0.000000e+00 : f32
    %broadcast_in_dim3A_7 = vector.broadcast %broadcast_in_dim3A : f32 to vector<16xf32>
    %broadcast_in_dim3A_8 = arith.constant 1.000000e+00 : f32
    %broadcast_in_dim3A_9 = vector.broadcast %broadcast_in_dim3A_8 : f32 to vector<16xf32>
    %lt3A = arith.constant 4 : i32
    %lt3A_10 = arith.cmpi slt, %add3A, %lt3A : i32
    %convert_element_type3A = arith.extui %lt3A_10 : i1 to i32
    %cond3A = arith.constant 0 : i32
    %cond3A_11 = arith.cmpi ne, %convert_element_type3A, %cond3A : i32
    scf.if %cond3A_11 {
      %dma_start3A = arith.constant 0 : i32
      %dma_start3A_16 = arith.constant 0 : i32
      %dma_start3A_17 = tpu.memref_slice %arg4[%dma_start3A, %dma_start3A_16] : memref<2x10112xi32, #tpu.memory_space<vmem>> -> memref<2x10112xi32, #tpu.memory_space<vmem>>
      %dma_start3A_18 = arith.constant 0 : i32
      %dma_start3A_19 = tpu.memref_slice %arg2[%dma_start3A_18, %add3A_6] : memref<2x320000xi32, #tpu.memory_space<hbm>> -> memref<2x10112xi32, #tpu.memory_space<hbm>>
      %dma_start3A_20 = arith.constant 0 : i32
      %dma_start3A_21 = arith.constant 0 : i32
      %dma_start3A_22 = tpu.memref_slice %arg4[%dma_start3A_20, %dma_start3A_21] : memref<2x10112xi32, #tpu.memory_space<vmem>> -> memref<2x10112xi32, #tpu.memory_space<vmem>>
      %dma_start3A_23 = arith.constant 0 : i32
      %dma_start3A_24 = tpu.memref_slice %arg2[%dma_start3A_23, %add3A_6] : memref<2x320000xi32, #tpu.memory_space<hbm>> -> memref<2x10112xi32, #tpu.memory_space<hbm>>
      tpu.enqueue_dma source(%dma_start3A_24 : memref<2x10112xi32, #tpu.memory_space<hbm>>) target(%dma_start3A_22 : memref<2x10112xi32, #tpu.memory_space<vmem>>) target_semaphore(%arg6 : memref<!tpu.dma_semaphore, #tpu.memory_space<semaphore_mem>>)
      %parallel_loop3A = arith.constant 0 : i32
      %parallel_loop3A_25 = arith.constant 10240 : i32
      %parallel_loop3A_26 = arith.constant 16 : i32
      scf.for %parallel_loop3A_39 = %parallel_loop3A to %parallel_loop3A_25 step %parallel_loop3A_26  : i32 {
        %parallel_loop3A_40 = arith.index_cast %parallel_loop3A_39 : i32 to index
        %parallel_loop3A_41 = tpu.vector_load %arg5[%parallel_loop3A_40] {strides = array<i32>} : memref<10240xf32, #tpu.memory_space<vmem>>, vector<16xf32>,
        tpu.vector_store %arg5[%parallel_loop3A_40], %broadcast_in_dim3A_7 {strides = array<i32>} : memref<10240xf32, #tpu.memory_space<vmem>>, vector<16xf32>,
      } {sc.loop_unroll_factor = 8 : i64, sc.parallel_access}
      %dma_wait3A = arith.constant 0 : i32
      %dma_wait3A_27 = arith.constant 0 : i32
      %dma_wait3A_28 = tpu.memref_slice %arg4[%dma_wait3A, %dma_wait3A_27] : memref<2x10112xi32, #tpu.memory_space<vmem>> -> memref<2x10112xi32, #tpu.memory_space<vmem>>
      %dma_wait3A_29 = arith.constant 0 : i32
      %dma_wait3A_30 = tpu.memref_slice %arg2[%dma_wait3A_29, %add3A_6] : memref<2x320000xi32, #tpu.memory_space<hbm>> -> memref<2x10112xi32, #tpu.memory_space<hbm>>
      %dma_wait3A_31 = arith.constant 0 : i32
      %dma_wait3A_32 = arith.constant 0 : i32
      %dma_wait3A_33 = tpu.memref_slice %arg4[%dma_wait3A_31, %dma_wait3A_32] : memref<2x10112xi32, #tpu.memory_space<vmem>> -> memref<2x10112xi32, #tpu.memory_space<vmem>>
      %dma_wait3A_34 = arith.constant 0 : i32
      %dma_wait3A_35 = tpu.memref_slice %arg2[%dma_wait3A_34, %add3A_6] : memref<2x320000xi32, #tpu.memory_space<hbm>> -> memref<2x10112xi32, #tpu.memory_space<hbm>>
      tpu.wait_dma2 semaphore(%arg6 : memref<!tpu.dma_semaphore, #tpu.memory_space<semaphore_mem>>) src(%dma_wait3A_35 : memref<2x10112xi32, #tpu.memory_space<hbm>>) dst(%dma_wait3A_33 : memref<2x10112xi32, #tpu.memory_space<vmem>>)
      %parallel_loop3A_36 = arith.constant 0 : i32
      %parallel_loop3A_37 = arith.constant 10112 : i32
      %parallel_loop3A_38 = arith.constant 16 : i32
      scf.for %parallel_loop3A_39 = %parallel_loop3A_36 to %parallel_loop3A_37 step %parallel_loop3A_38  : i32 {
        %parallel_loop3A_40 = arith.constant 1 : i32
        %parallel_loop3A_41 = arith.index_cast %parallel_loop3A_40 : i32 to index
        %parallel_loop3A_42 = arith.index_cast %parallel_loop3A_39 : i32 to index
        %parallel_loop3A_43 = tpu.vector_load %arg4[%parallel_loop3A_41, %parallel_loop3A_42] {strides = array<i32>} : memref<2x10112xi32, #tpu.memory_space<vmem>>, vector<16xi32>,
        tpu.vector_store_idx %arg5[%parallel_loop3A_43], %broadcast_in_dim3A_9 {add = true} : memref<10240xf32, #tpu.memory_space<vmem>>[vector<16xi32>], vector<16xf32>,
      } {sc.loop_unroll_factor = 8 : i64, sc.parallel_access}
    } else {
    }
    %ge3A = arith.constant 4 : i32
    %ge3A_12 = arith.cmpi sge, %add3A, %ge3A : i32
    %convert_element_type3A_13 = arith.extui %ge3A_12 : i1 to i32
    %cond3A_14 = arith.constant 0 : i32
    %cond3A_15 = arith.cmpi ne, %convert_element_type3A_13, %cond3A_14 : i32
    scf.if %cond3A_15 {
      %dma_start3A = arith.constant 0 : i32
      %dma_start3A_16 = arith.constant 0 : i32
      %dma_start3A_17 = tpu.memref_slice %arg4[%dma_start3A, %dma_start3A_16] : memref<2x10112xi32, #tpu.memory_space<vmem>> -> memref<2x9984xi32, #tpu.memory_space<vmem>>
      %dma_start3A_18 = arith.constant 0 : i32
      %dma_start3A_19 = tpu.memref_slice %arg2[%dma_start3A_18, %add3A_6] : memref<2x320000xi32, #tpu.memory_space<hbm>> -> memref<2x9984xi32, #tpu.memory_space<hbm>>
      %dma_start3A_20 = arith.constant 0 : i32
      %dma_start3A_21 = arith.constant 0 : i32
      %dma_start3A_22 = tpu.memref_slice %arg4[%dma_start3A_20, %dma_start3A_21] : memref<2x10112xi32, #tpu.memory_space<vmem>> -> memref<2x9984xi32, #tpu.memory_space<vmem>>
      %dma_start3A_23 = arith.constant 0 : i32
      %dma_start3A_24 = tpu.memref_slice %arg2[%dma_start3A_23, %add3A_6] : memref<2x320000xi32, #tpu.memory_space<hbm>> -> memref<2x9984xi32, #tpu.memory_space<hbm>>
      tpu.enqueue_dma source(%dma_start3A_24 : memref<2x9984xi32, #tpu.memory_space<hbm>>) target(%dma_start3A_22 : memref<2x9984xi32, #tpu.memory_space<vmem>>) target_semaphore(%arg6 : memref<!tpu.dma_semaphore, #tpu.memory_space<semaphore_mem>>)
      %parallel_loop3A = arith.constant 0 : i32
      %parallel_loop3A_25 = arith.constant 10240 : i32
      %parallel_loop3A_26 = arith.constant 16 : i32
      scf.for %parallel_loop3A_39 = %parallel_loop3A to %parallel_loop3A_25 step %parallel_loop3A_26  : i32 {
        %parallel_loop3A_40 = arith.index_cast %parallel_loop3A_39 : i32 to index
        %parallel_loop3A_41 = tpu.vector_load %arg5[%parallel_loop3A_40] {strides = array<i32>} : memref<10240xf32, #tpu.memory_space<vmem>>, vector<16xf32>,
        tpu.vector_store %arg5[%parallel_loop3A_40], %broadcast_in_dim3A_7 {strides = array<i32>} : memref<10240xf32, #tpu.memory_space<vmem>>, vector<16xf32>,
      } {sc.loop_unroll_factor = 8 : i64, sc.parallel_access}
      %dma_wait3A = arith.constant 0 : i32
      %dma_wait3A_27 = arith.constant 0 : i32
      %dma_wait3A_28 = tpu.memref_slice %arg4[%dma_wait3A, %dma_wait3A_27] : memref<2x10112xi32, #tpu.memory_space<vmem>> -> memref<2x9984xi32, #tpu.memory_space<vmem>>
      %dma_wait3A_29 = arith.constant 0 : i32
      %dma_wait3A_30 = tpu.memref_slice %arg2[%dma_wait3A_29, %add3A_6] : memref<2x320000xi32, #tpu.memory_space<hbm>> -> memref<2x9984xi32, #tpu.memory_space<hbm>>
      %dma_wait3A_31 = arith.constant 0 : i32
      %dma_wait3A_32 = arith.constant 0 : i32
      %dma_wait3A_33 = tpu.memref_slice %arg4[%dma_wait3A_31, %dma_wait3A_32] : memref<2x10112xi32, #tpu.memory_space<vmem>> -> memref<2x9984xi32, #tpu.memory_space<vmem>>
      %dma_wait3A_34 = arith.constant 0 : i32
      %dma_wait3A_35 = tpu.memref_slice %arg2[%dma_wait3A_34, %add3A_6] : memref<2x320000xi32, #tpu.memory_space<hbm>> -> memref<2x9984xi32, #tpu.memory_space<hbm>>
      tpu.wait_dma2 semaphore(%arg6 : memref<!tpu.dma_semaphore, #tpu.memory_space<semaphore_mem>>) src(%dma_wait3A_35 : memref<2x9984xi32, #tpu.memory_space<hbm>>) dst(%dma_wait3A_33 : memref<2x9984xi32, #tpu.memory_space<vmem>>)
      %parallel_loop3A_36 = arith.constant 0 : i32
      %parallel_loop3A_37 = arith.constant 9984 : i32
      %parallel_loop3A_38 = arith.constant 16 : i32
      scf.for %parallel_loop3A_39 = %parallel_loop3A_36 to %parallel_loop3A_37 step %parallel_loop3A_38  : i32 {
        %parallel_loop3A_40 = arith.constant 1 : i32
        %parallel_loop3A_41 = arith.index_cast %parallel_loop3A_40 : i32 to index
        %parallel_loop3A_42 = arith.index_cast %parallel_loop3A_39 : i32 to index
        %parallel_loop3A_43 = tpu.vector_load %arg4[%parallel_loop3A_41, %parallel_loop3A_42] {strides = array<i32>} : memref<2x10112xi32, #tpu.memory_space<vmem>>, vector<16xi32>,
        tpu.vector_store_idx %arg5[%parallel_loop3A_43], %broadcast_in_dim3A_9 {add = true} : memref<10240xf32, #tpu.memory_space<vmem>>[vector<16xi32>], vector<16xf32>,
      } {sc.loop_unroll_factor = 8 : i64, sc.parallel_access}
    } else {
    }
    "tpu.region"() ({
      %run_scoped3A = tpu.sem_alloc : memref<!tpu.dma_semaphore, #tpu.memory_space<semaphore_mem>>
      %dma_start3A = arith.constant 0 : i32
      %dma_start3A_16 = tpu.memref_slice %arg3[%add3A, %dma_start3A] : memref<32x10240xf32, #tpu.memory_space<hbm>> -> memref<1x10240xf32, #tpu.memory_space<hbm>>
      %dma_start3A_17 = tpu.memref_squeeze %dma_start3A_16 : memref<1x10240xf32, #tpu.memory_space<hbm>> -> memref<10240xf32, #tpu.memory_space<hbm>>
      %dma_start3A_18 = arith.constant 0 : i32
      %dma_start3A_19 = tpu.memref_slice %arg3[%add3A, %dma_start3A_18] : memref<32x10240xf32, #tpu.memory_space<hbm>> -> memref<1x10240xf32, #tpu.memory_space<hbm>>
      %dma_start3A_20 = tpu.memref_squeeze %dma_start3A_19 : memref<1x10240xf32, #tpu.memory_space<hbm>> -> memref<10240xf32, #tpu.memory_space<hbm>>
      tpu.enqueue_dma source(%arg5 : memref<10240xf32, #tpu.memory_space<vmem>>) target(%dma_start3A_20 : memref<10240xf32, #tpu.memory_space<hbm>>) target_semaphore(%run_scoped3A : memref<!tpu.dma_semaphore, #tpu.memory_space<semaphore_mem>>)
      %dma_wait3A = arith.constant 0 : i32
      %dma_wait3A_21 = tpu.memref_slice %arg3[%add3A, %dma_wait3A] : memref<32x10240xf32, #tpu.memory_space<hbm>> -> memref<1x10240xf32, #tpu.memory_space<hbm>>
      %dma_wait3A_22 = tpu.memref_squeeze %dma_wait3A_21 : memref<1x10240xf32, #tpu.memory_space<hbm>> -> memref<10240xf32, #tpu.memory_space<hbm>>
      %dma_wait3A_23 = arith.constant 0 : i32
      %dma_wait3A_24 = tpu.memref_slice %arg3[%add3A, %dma_wait3A_23] : memref<32x10240xf32, #tpu.memory_space<hbm>> -> memref<1x10240xf32, #tpu.memory_space<hbm>>
      %dma_wait3A_25 = tpu.memref_squeeze %dma_wait3A_24 : memref<1x10240xf32, #tpu.memory_space<hbm>> -> memref<10240xf32, #tpu.memory_space<hbm>>
      tpu.wait_dma2 semaphore(%run_scoped3A : memref<!tpu.dma_semaphore, #tpu.memory_space<semaphore_mem>>) src(%arg5 : memref<10240xf32, #tpu.memory_space<vmem>>) dst(%dma_wait3A_25 : memref<10240xf32, #tpu.memory_space<hbm>>)
      tpu.yield
    }) : () -> ()
    return
  }
}

#map = affine_map<(d0, d1) -> (0, 0)>
#map1 = affine_map<(d0, d1) -> (0)>
module attributes {stable_mosaic.version = 14 : i64} {
  func.func @msg_kernel(%arg0: i32, %arg1: i32, %arg2: memref<2x320000xi32, #tpu.memory_space<hbm>>, %arg3: memref<30000xf32, #tpu.memory_space<hbm>>, %arg4: memref<32x30720xf32, #tpu.memory_space<hbm>>, %arg5: memref<2x10112xi32, #tpu.memory_space<vmem>>, %arg6: memref<30000xf32, #tpu.memory_space<vmem>>, %arg7: memref<30720xf32, #tpu.memory_space<vmem>>, %arg8: memref<!tpu.dma_semaphore, #tpu.memory_space<semaphore_mem>>) attributes {dimension_semantics = [#tpu.dimension_semantics<core_parallel>, #tpu.dimension_semantics<subcore_parallel>], iteration_bounds = array<i64: 2, 16>, scalar_prefetch = 0 : i64, scratch_operands = 4 : i64, tpu.core_type = #tpu.core_type<sc_vector_subcore>, window_params = [{transform_indices = #map}, {transform_indices = #map1}, {transform_indices = #map}]} {
    %mul3A = arith.constant 16 : i32
    %mul3A_0 = arith.muli %arg0, %mul3A : i32
    %add3A = arith.addi %mul3A_0, %arg1 : i32
    %mul3A_1 = arith.constant 9984 : i32
    %mul3A_2 = arith.muli %add3A, %mul3A_1 : i32
    %min3A = arith.constant 4 : i32
    %min3A_3 = arith.minsi %add3A, %min3A : i32
    %mul3A_4 = arith.constant 128 : i32
    %mul3A_5 = arith.muli %min3A_3, %mul3A_4 : i32
    %add3A_6 = arith.addi %mul3A_2, %mul3A_5 : i32
    %broadcast_in_dim3A = arith.constant 0.000000e+00 : f32
    %broadcast_in_dim3A_7 = vector.broadcast %broadcast_in_dim3A : f32 to vector<16xf32>
    %broadcast_in_dim3A_8 = arith.constant 10000 : i32
    %broadcast_in_dim3A_9 = vector.broadcast %broadcast_in_dim3A_8 : i32 to vector<16xi32>
    %broadcast_in_dim3A_10 = arith.constant 10240 : i32
    %broadcast_in_dim3A_11 = vector.broadcast %broadcast_in_dim3A_10 : i32 to vector<16xi32>
    %lt3A = arith.constant 4 : i32
    %lt3A_12 = arith.cmpi slt, %add3A, %lt3A : i32
    %convert_element_type3A = arith.extui %lt3A_12 : i1 to i32
    %cond3A = arith.constant 0 : i32
    %cond3A_13 = arith.cmpi ne, %convert_element_type3A, %cond3A : i32
    scf.if %cond3A_13 {
      %dma_start3A = arith.constant 0 : i32
      %dma_start3A_18 = arith.constant 0 : i32
      %dma_start3A_19 = tpu.memref_slice %arg5[%dma_start3A, %dma_start3A_18] : memref<2x10112xi32, #tpu.memory_space<vmem>> -> memref<2x10112xi32, #tpu.memory_space<vmem>>
      %dma_start3A_20 = arith.constant 0 : i32
      %dma_start3A_21 = tpu.memref_slice %arg2[%dma_start3A_20, %add3A_6] : memref<2x320000xi32, #tpu.memory_space<hbm>> -> memref<2x10112xi32, #tpu.memory_space<hbm>>
      %dma_start3A_22 = arith.constant 0 : i32
      %dma_start3A_23 = arith.constant 0 : i32
      %dma_start3A_24 = tpu.memref_slice %arg5[%dma_start3A_22, %dma_start3A_23] : memref<2x10112xi32, #tpu.memory_space<vmem>> -> memref<2x10112xi32, #tpu.memory_space<vmem>>
      %dma_start3A_25 = arith.constant 0 : i32
      %dma_start3A_26 = tpu.memref_slice %arg2[%dma_start3A_25, %add3A_6] : memref<2x320000xi32, #tpu.memory_space<hbm>> -> memref<2x10112xi32, #tpu.memory_space<hbm>>
      tpu.enqueue_dma source(%dma_start3A_26 : memref<2x10112xi32, #tpu.memory_space<hbm>>) target(%dma_start3A_24 : memref<2x10112xi32, #tpu.memory_space<vmem>>) target_semaphore(%arg8 : memref<!tpu.dma_semaphore, #tpu.memory_space<semaphore_mem>>)
      tpu.enqueue_dma source(%arg3 : memref<30000xf32, #tpu.memory_space<hbm>>) target(%arg6 : memref<30000xf32, #tpu.memory_space<vmem>>) target_semaphore(%arg8 : memref<!tpu.dma_semaphore, #tpu.memory_space<semaphore_mem>>)
      %parallel_loop3A = arith.constant 0 : i32
      %parallel_loop3A_27 = arith.constant 30720 : i32
      %parallel_loop3A_28 = arith.constant 16 : i32
      scf.for %parallel_loop3A_41 = %parallel_loop3A to %parallel_loop3A_27 step %parallel_loop3A_28  : i32 {
        %parallel_loop3A_42 = arith.index_cast %parallel_loop3A_41 : i32 to index
        %parallel_loop3A_43 = tpu.vector_load %arg7[%parallel_loop3A_42] {strides = array<i32>} : memref<30720xf32, #tpu.memory_space<vmem>>, vector<16xf32>,
        tpu.vector_store %arg7[%parallel_loop3A_42], %broadcast_in_dim3A_7 {strides = array<i32>} : memref<30720xf32, #tpu.memory_space<vmem>>, vector<16xf32>,
      } {sc.loop_unroll_factor = 8 : i64, sc.parallel_access}
      %dma_wait3A = arith.constant 0 : i32
      %dma_wait3A_29 = arith.constant 0 : i32
      %dma_wait3A_30 = tpu.memref_slice %arg5[%dma_wait3A, %dma_wait3A_29] : memref<2x10112xi32, #tpu.memory_space<vmem>> -> memref<2x10112xi32, #tpu.memory_space<vmem>>
      %dma_wait3A_31 = arith.constant 0 : i32
      %dma_wait3A_32 = tpu.memref_slice %arg2[%dma_wait3A_31, %add3A_6] : memref<2x320000xi32, #tpu.memory_space<hbm>> -> memref<2x10112xi32, #tpu.memory_space<hbm>>
      %dma_wait3A_33 = arith.constant 0 : i32
      %dma_wait3A_34 = arith.constant 0 : i32
      %dma_wait3A_35 = tpu.memref_slice %arg5[%dma_wait3A_33, %dma_wait3A_34] : memref<2x10112xi32, #tpu.memory_space<vmem>> -> memref<2x10112xi32, #tpu.memory_space<vmem>>
      %dma_wait3A_36 = arith.constant 0 : i32
      %dma_wait3A_37 = tpu.memref_slice %arg2[%dma_wait3A_36, %add3A_6] : memref<2x320000xi32, #tpu.memory_space<hbm>> -> memref<2x10112xi32, #tpu.memory_space<hbm>>
      tpu.wait_dma2 semaphore(%arg8 : memref<!tpu.dma_semaphore, #tpu.memory_space<semaphore_mem>>) src(%dma_wait3A_37 : memref<2x10112xi32, #tpu.memory_space<hbm>>) dst(%dma_wait3A_35 : memref<2x10112xi32, #tpu.memory_space<vmem>>)
      tpu.wait_dma2 semaphore(%arg8 : memref<!tpu.dma_semaphore, #tpu.memory_space<semaphore_mem>>) src(%arg3 : memref<30000xf32, #tpu.memory_space<hbm>>) dst(%arg6 : memref<30000xf32, #tpu.memory_space<vmem>>)
      %parallel_loop3A_38 = arith.constant 0 : i32
      %parallel_loop3A_39 = arith.constant 10112 : i32
      %parallel_loop3A_40 = arith.constant 16 : i32
      scf.for %parallel_loop3A_41 = %parallel_loop3A_38 to %parallel_loop3A_39 step %parallel_loop3A_40  : i32 {
        %parallel_loop3A_42 = arith.constant 0 : i32
        %parallel_loop3A_43 = arith.index_cast %parallel_loop3A_42 : i32 to index
        %parallel_loop3A_44 = arith.index_cast %parallel_loop3A_41 : i32 to index
        %parallel_loop3A_45 = tpu.vector_load %arg5[%parallel_loop3A_43, %parallel_loop3A_44] {strides = array<i32>} : memref<2x10112xi32, #tpu.memory_space<vmem>>, vector<16xi32>,
        %parallel_loop3A_46 = arith.constant 1 : i32
        %parallel_loop3A_47 = arith.index_cast %parallel_loop3A_46 : i32 to index
        %parallel_loop3A_48 = arith.index_cast %parallel_loop3A_41 : i32 to index
        %parallel_loop3A_49 = tpu.vector_load %arg5[%parallel_loop3A_47, %parallel_loop3A_48] {strides = array<i32>} : memref<2x10112xi32, #tpu.memory_space<vmem>>, vector<16xi32>,
        %parallel_loop3A_50 = arith.addi %parallel_loop3A_45, %broadcast_in_dim3A_9 : vector<16xi32>
        %parallel_loop3A_51 = arith.addi %parallel_loop3A_50, %broadcast_in_dim3A_9 : vector<16xi32>
        %parallel_loop3A_52 = arith.addi %parallel_loop3A_49, %broadcast_in_dim3A_11 : vector<16xi32>
        %parallel_loop3A_53 = arith.addi %parallel_loop3A_52, %broadcast_in_dim3A_11 : vector<16xi32>
        %parallel_loop3A_54 = tpu.vector_load_idx %arg6[%parallel_loop3A_45] : memref<30000xf32, #tpu.memory_space<vmem>>[vector<16xi32>], vector<16xf32>,
        %parallel_loop3A_55 = tpu.vector_load_idx %arg6[%parallel_loop3A_50] : memref<30000xf32, #tpu.memory_space<vmem>>[vector<16xi32>], vector<16xf32>,
        %parallel_loop3A_56 = tpu.vector_load_idx %arg6[%parallel_loop3A_51] : memref<30000xf32, #tpu.memory_space<vmem>>[vector<16xi32>], vector<16xf32>,
        tpu.vector_store_idx %arg7[%parallel_loop3A_49], %parallel_loop3A_54 {add = true} : memref<30720xf32, #tpu.memory_space<vmem>>[vector<16xi32>], vector<16xf32>,
        tpu.vector_store_idx %arg7[%parallel_loop3A_52], %parallel_loop3A_55 {add = true} : memref<30720xf32, #tpu.memory_space<vmem>>[vector<16xi32>], vector<16xf32>,
        tpu.vector_store_idx %arg7[%parallel_loop3A_53], %parallel_loop3A_56 {add = true} : memref<30720xf32, #tpu.memory_space<vmem>>[vector<16xi32>], vector<16xf32>,
      } {sc.loop_unroll_factor = 8 : i64, sc.parallel_access}
    } else {
    }
    %ge3A = arith.constant 4 : i32
    %ge3A_14 = arith.cmpi sge, %add3A, %ge3A : i32
    %convert_element_type3A_15 = arith.extui %ge3A_14 : i1 to i32
    %cond3A_16 = arith.constant 0 : i32
    %cond3A_17 = arith.cmpi ne, %convert_element_type3A_15, %cond3A_16 : i32
    scf.if %cond3A_17 {
      %dma_start3A = arith.constant 0 : i32
      %dma_start3A_18 = arith.constant 0 : i32
      %dma_start3A_19 = tpu.memref_slice %arg5[%dma_start3A, %dma_start3A_18] : memref<2x10112xi32, #tpu.memory_space<vmem>> -> memref<2x9984xi32, #tpu.memory_space<vmem>>
      %dma_start3A_20 = arith.constant 0 : i32
      %dma_start3A_21 = tpu.memref_slice %arg2[%dma_start3A_20, %add3A_6] : memref<2x320000xi32, #tpu.memory_space<hbm>> -> memref<2x9984xi32, #tpu.memory_space<hbm>>
      %dma_start3A_22 = arith.constant 0 : i32
      %dma_start3A_23 = arith.constant 0 : i32
      %dma_start3A_24 = tpu.memref_slice %arg5[%dma_start3A_22, %dma_start3A_23] : memref<2x10112xi32, #tpu.memory_space<vmem>> -> memref<2x9984xi32, #tpu.memory_space<vmem>>
      %dma_start3A_25 = arith.constant 0 : i32
      %dma_start3A_26 = tpu.memref_slice %arg2[%dma_start3A_25, %add3A_6] : memref<2x320000xi32, #tpu.memory_space<hbm>> -> memref<2x9984xi32, #tpu.memory_space<hbm>>
      tpu.enqueue_dma source(%dma_start3A_26 : memref<2x9984xi32, #tpu.memory_space<hbm>>) target(%dma_start3A_24 : memref<2x9984xi32, #tpu.memory_space<vmem>>) target_semaphore(%arg8 : memref<!tpu.dma_semaphore, #tpu.memory_space<semaphore_mem>>)
      tpu.enqueue_dma source(%arg3 : memref<30000xf32, #tpu.memory_space<hbm>>) target(%arg6 : memref<30000xf32, #tpu.memory_space<vmem>>) target_semaphore(%arg8 : memref<!tpu.dma_semaphore, #tpu.memory_space<semaphore_mem>>)
      %parallel_loop3A = arith.constant 0 : i32
      %parallel_loop3A_27 = arith.constant 30720 : i32
      %parallel_loop3A_28 = arith.constant 16 : i32
      scf.for %parallel_loop3A_41 = %parallel_loop3A to %parallel_loop3A_27 step %parallel_loop3A_28  : i32 {
        %parallel_loop3A_42 = arith.index_cast %parallel_loop3A_41 : i32 to index
        %parallel_loop3A_43 = tpu.vector_load %arg7[%parallel_loop3A_42] {strides = array<i32>} : memref<30720xf32, #tpu.memory_space<vmem>>, vector<16xf32>,
        tpu.vector_store %arg7[%parallel_loop3A_42], %broadcast_in_dim3A_7 {strides = array<i32>} : memref<30720xf32, #tpu.memory_space<vmem>>, vector<16xf32>,
      } {sc.loop_unroll_factor = 8 : i64, sc.parallel_access}
      %dma_wait3A = arith.constant 0 : i32
      %dma_wait3A_29 = arith.constant 0 : i32
      %dma_wait3A_30 = tpu.memref_slice %arg5[%dma_wait3A, %dma_wait3A_29] : memref<2x10112xi32, #tpu.memory_space<vmem>> -> memref<2x9984xi32, #tpu.memory_space<vmem>>
      %dma_wait3A_31 = arith.constant 0 : i32
      %dma_wait3A_32 = tpu.memref_slice %arg2[%dma_wait3A_31, %add3A_6] : memref<2x320000xi32, #tpu.memory_space<hbm>> -> memref<2x9984xi32, #tpu.memory_space<hbm>>
      %dma_wait3A_33 = arith.constant 0 : i32
      %dma_wait3A_34 = arith.constant 0 : i32
      %dma_wait3A_35 = tpu.memref_slice %arg5[%dma_wait3A_33, %dma_wait3A_34] : memref<2x10112xi32, #tpu.memory_space<vmem>> -> memref<2x9984xi32, #tpu.memory_space<vmem>>
      %dma_wait3A_36 = arith.constant 0 : i32
      %dma_wait3A_37 = tpu.memref_slice %arg2[%dma_wait3A_36, %add3A_6] : memref<2x320000xi32, #tpu.memory_space<hbm>> -> memref<2x9984xi32, #tpu.memory_space<hbm>>
      tpu.wait_dma2 semaphore(%arg8 : memref<!tpu.dma_semaphore, #tpu.memory_space<semaphore_mem>>) src(%dma_wait3A_37 : memref<2x9984xi32, #tpu.memory_space<hbm>>) dst(%dma_wait3A_35 : memref<2x9984xi32, #tpu.memory_space<vmem>>)
      tpu.wait_dma2 semaphore(%arg8 : memref<!tpu.dma_semaphore, #tpu.memory_space<semaphore_mem>>) src(%arg3 : memref<30000xf32, #tpu.memory_space<hbm>>) dst(%arg6 : memref<30000xf32, #tpu.memory_space<vmem>>)
      %parallel_loop3A_38 = arith.constant 0 : i32
      %parallel_loop3A_39 = arith.constant 9984 : i32
      %parallel_loop3A_40 = arith.constant 16 : i32
      scf.for %parallel_loop3A_41 = %parallel_loop3A_38 to %parallel_loop3A_39 step %parallel_loop3A_40  : i32 {
        %parallel_loop3A_42 = arith.constant 0 : i32
        %parallel_loop3A_43 = arith.index_cast %parallel_loop3A_42 : i32 to index
        %parallel_loop3A_44 = arith.index_cast %parallel_loop3A_41 : i32 to index
        %parallel_loop3A_45 = tpu.vector_load %arg5[%parallel_loop3A_43, %parallel_loop3A_44] {strides = array<i32>} : memref<2x10112xi32, #tpu.memory_space<vmem>>, vector<16xi32>,
        %parallel_loop3A_46 = arith.constant 1 : i32
        %parallel_loop3A_47 = arith.index_cast %parallel_loop3A_46 : i32 to index
        %parallel_loop3A_48 = arith.index_cast %parallel_loop3A_41 : i32 to index
        %parallel_loop3A_49 = tpu.vector_load %arg5[%parallel_loop3A_47, %parallel_loop3A_48] {strides = array<i32>} : memref<2x10112xi32, #tpu.memory_space<vmem>>, vector<16xi32>,
        %parallel_loop3A_50 = arith.addi %parallel_loop3A_45, %broadcast_in_dim3A_9 : vector<16xi32>
        %parallel_loop3A_51 = arith.addi %parallel_loop3A_50, %broadcast_in_dim3A_9 : vector<16xi32>
        %parallel_loop3A_52 = arith.addi %parallel_loop3A_49, %broadcast_in_dim3A_11 : vector<16xi32>
        %parallel_loop3A_53 = arith.addi %parallel_loop3A_52, %broadcast_in_dim3A_11 : vector<16xi32>
        %parallel_loop3A_54 = tpu.vector_load_idx %arg6[%parallel_loop3A_45] : memref<30000xf32, #tpu.memory_space<vmem>>[vector<16xi32>], vector<16xf32>,
        %parallel_loop3A_55 = tpu.vector_load_idx %arg6[%parallel_loop3A_50] : memref<30000xf32, #tpu.memory_space<vmem>>[vector<16xi32>], vector<16xf32>,
        %parallel_loop3A_56 = tpu.vector_load_idx %arg6[%parallel_loop3A_51] : memref<30000xf32, #tpu.memory_space<vmem>>[vector<16xi32>], vector<16xf32>,
        tpu.vector_store_idx %arg7[%parallel_loop3A_49], %parallel_loop3A_54 {add = true} : memref<30720xf32, #tpu.memory_space<vmem>>[vector<16xi32>], vector<16xf32>,
        tpu.vector_store_idx %arg7[%parallel_loop3A_52], %parallel_loop3A_55 {add = true} : memref<30720xf32, #tpu.memory_space<vmem>>[vector<16xi32>], vector<16xf32>,
        tpu.vector_store_idx %arg7[%parallel_loop3A_53], %parallel_loop3A_56 {add = true} : memref<30720xf32, #tpu.memory_space<vmem>>[vector<16xi32>], vector<16xf32>,
      } {sc.loop_unroll_factor = 8 : i64, sc.parallel_access}
    } else {
    }
    "tpu.region"() ({
      %run_scoped3A = tpu.sem_alloc : memref<!tpu.dma_semaphore, #tpu.memory_space<semaphore_mem>>
      %dma_start3A = arith.constant 0 : i32
      %dma_start3A_18 = tpu.memref_slice %arg4[%add3A, %dma_start3A] : memref<32x30720xf32, #tpu.memory_space<hbm>> -> memref<1x30720xf32, #tpu.memory_space<hbm>>
      %dma_start3A_19 = tpu.memref_squeeze %dma_start3A_18 : memref<1x30720xf32, #tpu.memory_space<hbm>> -> memref<30720xf32, #tpu.memory_space<hbm>>
      %dma_start3A_20 = arith.constant 0 : i32
      %dma_start3A_21 = tpu.memref_slice %arg4[%add3A, %dma_start3A_20] : memref<32x30720xf32, #tpu.memory_space<hbm>> -> memref<1x30720xf32, #tpu.memory_space<hbm>>
      %dma_start3A_22 = tpu.memref_squeeze %dma_start3A_21 : memref<1x30720xf32, #tpu.memory_space<hbm>> -> memref<30720xf32, #tpu.memory_space<hbm>>
      tpu.enqueue_dma source(%arg7 : memref<30720xf32, #tpu.memory_space<vmem>>) target(%dma_start3A_22 : memref<30720xf32, #tpu.memory_space<hbm>>) target_semaphore(%run_scoped3A : memref<!tpu.dma_semaphore, #tpu.memory_space<semaphore_mem>>)
      %dma_wait3A = arith.constant 0 : i32
      %dma_wait3A_23 = tpu.memref_slice %arg4[%add3A, %dma_wait3A] : memref<32x30720xf32, #tpu.memory_space<hbm>> -> memref<1x30720xf32, #tpu.memory_space<hbm>>
      %dma_wait3A_24 = tpu.memref_squeeze %dma_wait3A_23 : memref<1x30720xf32, #tpu.memory_space<hbm>> -> memref<30720xf32, #tpu.memory_space<hbm>>
      %dma_wait3A_25 = arith.constant 0 : i32
      %dma_wait3A_26 = tpu.memref_slice %arg4[%add3A, %dma_wait3A_25] : memref<32x30720xf32, #tpu.memory_space<hbm>> -> memref<1x30720xf32, #tpu.memory_space<hbm>>
      %dma_wait3A_27 = tpu.memref_squeeze %dma_wait3A_26 : memref<1x30720xf32, #tpu.memory_space<hbm>> -> memref<30720xf32, #tpu.memory_space<hbm>>
      tpu.wait_dma2 semaphore(%run_scoped3A : memref<!tpu.dma_semaphore, #tpu.memory_space<semaphore_mem>>) src(%arg7 : memref<30720xf32, #tpu.memory_space<vmem>>) dst(%dma_wait3A_27 : memref<30720xf32, #tpu.memory_space<hbm>>)
      tpu.yield
    }) : () -> ()
    return
  }
}

module attributes {stable_mosaic.version = 14 : i64} {
  func.func @body(%arg0: memref<32x10240xf32, #tpu.memory_space<vmem>>, %arg1: memref<3x10000xf32, #tpu.memory_space<vmem>>, %arg2: memref<3x10000xf32, #tpu.memory_space<vmem>>, %arg3: memref<30000xf32, #tpu.memory_space<vmem>>, %arg4: memref<1x10000xf32, #tpu.memory_space<vmem>>) attributes {dimension_semantics = [], scalar_prefetch = 0 : i64, scratch_operands = 0 : i64, tpu.core_type = #tpu.core_type<tc>} {
    %get3A = arith.constant 0 : index
    %get3A_0 = arith.constant 0 : index
    %get3A_1 = vector.load %arg0[%get3A, %get3A_0] : memref<32x10240xf32, #tpu.memory_space<vmem>>, vector<32x10000xf32>
    %reduce_sum3A = arith.constant dense<0.000000e+00> : vector<10000xf32>
    %reduce_sum3A_2 = vector.multi_reduction <add>, %get3A_1, %reduce_sum3A [0] : vector<32x10000xf32> to vector<10000xf32>
    %add3A = arith.constant 1.000000e+00 : f32
    %add3A_3 = vector.broadcast %add3A : f32 to vector<10000xf32>
    %add3A_4 = arith.addf %reduce_sum3A_2, %add3A_3 : vector<10000xf32>
    %rsqrt3A = math.rsqrt %add3A_4 : vector<10000xf32>
    %broadcast_in_dim3A = vector.shape_cast %rsqrt3A : vector<10000xf32> to vector<1x10000xf32>
    %swap3A = arith.constant 0 : index
    %swap3A_5 = arith.constant 0 : index
    %swap3A_6 = vector.load %arg4[%swap3A, %swap3A_5] : memref<1x10000xf32, #tpu.memory_space<vmem>>, vector<1x10000xf32>
    tpu.vector_store %arg4[%swap3A, %swap3A_5], %broadcast_in_dim3A {strides = array<i32>} : memref<1x10000xf32, #tpu.memory_space<vmem>>, vector<1x10000xf32>,
    %get3A_7 = arith.constant 0 : index
    %get3A_8 = arith.constant 0 : index
    %get3A_9 = vector.load %arg1[%get3A_7, %get3A_8] : memref<3x10000xf32, #tpu.memory_space<vmem>>, vector<3x10000xf32>
    %broadcast_in_dim3A_10 = vector.shape_cast %rsqrt3A : vector<10000xf32> to vector<1x10000xf32>
    %mul3A = vector.broadcast %broadcast_in_dim3A_10 : vector<1x10000xf32> to vector<3x10000xf32>
    %mul3A_11 = arith.mulf %get3A_9, %mul3A : vector<3x10000xf32>
    %swap3A_12 = arith.constant 0 : index
    %swap3A_13 = arith.constant 0 : index
    %swap3A_14 = vector.load %arg2[%swap3A_12, %swap3A_13] : memref<3x10000xf32, #tpu.memory_space<vmem>>, vector<3x10000xf32>
    tpu.vector_store %arg2[%swap3A_12, %swap3A_13], %mul3A_11 {strides = array<i32>} : memref<3x10000xf32, #tpu.memory_space<vmem>>, vector<3x10000xf32>,
    %slice3A = vector.extract_strided_slice %mul3A_11 {offsets = [0, 0], sizes = [1, 10000], strides = [1, 1]} : vector<3x10000xf32> to vector<1x10000xf32>
    %squeeze3A = vector.shape_cast %slice3A : vector<1x10000xf32> to vector<10000xf32>
    %swap3A_15 = arith.constant 0 : index
    %swap3A_16 = vector.load %arg3[%swap3A_15] : memref<30000xf32, #tpu.memory_space<vmem>>, vector<10000xf32>
    tpu.vector_store %arg3[%swap3A_15], %squeeze3A {strides = array<i32>} : memref<30000xf32, #tpu.memory_space<vmem>>, vector<10000xf32>,
    %slice3A_17 = vector.extract_strided_slice %mul3A_11 {offsets = [1, 0], sizes = [1, 10000], strides = [1, 1]} : vector<3x10000xf32> to vector<1x10000xf32>
    %squeeze3A_18 = vector.shape_cast %slice3A_17 : vector<1x10000xf32> to vector<10000xf32>
    %swap3A_19 = arith.constant 10000 : index
    %swap3A_20 = vector.load %arg3[%swap3A_19] : memref<30000xf32, #tpu.memory_space<vmem>>, vector<10000xf32>
    tpu.vector_store %arg3[%swap3A_19], %squeeze3A_18 {strides = array<i32>} : memref<30000xf32, #tpu.memory_space<vmem>>, vector<10000xf32>,
    %slice3A_21 = vector.extract_strided_slice %mul3A_11 {offsets = [2, 0], sizes = [1, 10000], strides = [1, 1]} : vector<3x10000xf32> to vector<1x10000xf32>
    %squeeze3A_22 = vector.shape_cast %slice3A_21 : vector<1x10000xf32> to vector<10000xf32>
    %swap3A_23 = arith.constant 20000 : index
    %swap3A_24 = vector.load %arg3[%swap3A_23] : memref<30000xf32, #tpu.memory_space<vmem>>, vector<10000xf32>
    tpu.vector_store %arg3[%swap3A_23], %squeeze3A_22 {strides = array<i32>} : memref<30000xf32, #tpu.memory_space<vmem>>, vector<10000xf32>,
    return
  }
}

module attributes {stable_mosaic.version = 14 : i64} {
  func.func @body(%arg0: memref<10000x128xf32, #tpu.memory_space<vmem>>, %arg1: memref<128x3xf32, #tpu.memory_space<vmem>>, %arg2: memref<3x10000xf32, #tpu.memory_space<vmem>>) attributes {dimension_semantics = [], scalar_prefetch = 0 : i64, scratch_operands = 0 : i64, tpu.core_type = #tpu.core_type<tc>} {
    %get3A = arith.constant 0 : index
    %get3A_0 = arith.constant 0 : index
    %get3A_1 = vector.load %arg0[%get3A, %get3A_0] : memref<10000x128xf32, #tpu.memory_space<vmem>>, vector<10000x128xf32>
    %get3A_2 = arith.constant 0 : index
    %get3A_3 = arith.constant 0 : index
    %get3A_4 = vector.load %arg1[%get3A_2, %get3A_3] : memref<128x3xf32, #tpu.memory_space<vmem>>, vector<128x3xf32>
    %dot_general3A = arith.constant dense<0.000000e+00> : vector<10000x3xf32>
    %dot_general3A_5 = tpu.matmul %get3A_1, %get3A_4, %dot_general3A {dimension_numbers = #tpu.dot_dimension_numbers<[1], [0], [0], [1], [0, 0, 1, 1], [], []>, transpose_lhs_hint = false} : vector<10000x128xf32>, vector<128x3xf32>, vector<10000x3xf32> -> vector<10000x3xf32>
    %transpose3A = tpu.transpose %dot_general3A_5, [1, 0] : vector<10000x3xf32> -> vector<3x10000xf32>
    %swap3A = arith.constant 0 : index
    %swap3A_6 = arith.constant 0 : index
    %swap3A_7 = vector.load %arg2[%swap3A, %swap3A_6] : memref<3x10000xf32, #tpu.memory_space<vmem>>, vector<3x10000xf32>
    tpu.vector_store %arg2[%swap3A, %swap3A_6], %transpose3A {strides = array<i32>} : memref<3x10000xf32, #tpu.memory_space<vmem>>, vector<3x10000xf32>,
    return
  }
}

module attributes {stable_mosaic.version = 14 : i64} {
  func.func @body(%arg0: memref<32x30720xf32, #tpu.memory_space<vmem>>, %arg1: memref<3x10000xf32, #tpu.memory_space<vmem>>, %arg2: memref<1x10000xf32, #tpu.memory_space<vmem>>, %arg3: memref<3xf32, #tpu.memory_space<vmem>>, %arg4: memref<3x4xf32, #tpu.memory_space<vmem>>, %arg5: memref<4xf32, #tpu.memory_space<vmem>>, %arg6: memref<3x10000xf32, #tpu.memory_space<vmem>>, %arg7: memref<4x10000xf32, #tpu.memory_space<vmem>>) attributes {dimension_semantics = [], scalar_prefetch = 0 : i64, scratch_operands = 0 : i64, tpu.core_type = #tpu.core_type<tc>} {
    %get3A = arith.constant 0 : index
    %get3A_0 = arith.constant 0 : index
    %get3A_1 = vector.load %arg0[%get3A, %get3A_0] : memref<32x30720xf32, #tpu.memory_space<vmem>>, vector<32x30720xf32>
    %reduce_sum3A = arith.constant dense<0.000000e+00> : vector<30720xf32>
    %reduce_sum3A_2 = vector.multi_reduction <add>, %get3A_1, %reduce_sum3A [0] : vector<32x30720xf32> to vector<30720xf32>
    %broadcast_in_dim3A = vector.shape_cast %reduce_sum3A_2 : vector<30720xf32> to vector<1x30720xf32>
    %slice3A = vector.extract_strided_slice %broadcast_in_dim3A {offsets = [0, 0], sizes = [1, 10000], strides = [1, 1]} : vector<1x30720xf32> to vector<1x10000xf32>
    %slice3A_3 = vector.extract_strided_slice %broadcast_in_dim3A {offsets = [0, 10240], sizes = [1, 10000], strides = [1, 1]} : vector<1x30720xf32> to vector<1x10000xf32>
    %slice3A_4 = vector.extract_strided_slice %broadcast_in_dim3A {offsets = [0, 20480], sizes = [1, 10000], strides = [1, 1]} : vector<1x30720xf32> to vector<1x10000xf32>
    %concatenate3A = tpu.concatenate %slice3A, %slice3A_3, %slice3A_4 in 0 : vector<1x10000xf32>, vector<1x10000xf32>, vector<1x10000xf32> -> vector<3x10000xf32>
    %get3A_5 = arith.constant 0 : index
    %get3A_6 = arith.constant 0 : index
    %get3A_7 = vector.load %arg2[%get3A_5, %get3A_6] : memref<1x10000xf32, #tpu.memory_space<vmem>>, vector<1x10000xf32>
    %get3A_8 = arith.constant 0 : index
    %get3A_9 = arith.constant 0 : index
    %get3A_10 = vector.load %arg1[%get3A_8, %get3A_9] : memref<3x10000xf32, #tpu.memory_space<vmem>>, vector<3x10000xf32>
    %add3A = arith.addf %concatenate3A, %get3A_10 : vector<3x10000xf32>
    %mul3A = vector.broadcast %get3A_7 : vector<1x10000xf32> to vector<3x10000xf32>
    %mul3A_11 = arith.mulf %add3A, %mul3A : vector<3x10000xf32>
    %get3A_12 = arith.constant 0 : index
    %get3A_13 = vector.load %arg3[%get3A_12] : memref<3xf32, #tpu.memory_space<vmem>>, vector<3xf32>
    %reshape3A = vector.shape_cast %get3A_13 : vector<3xf32> to vector<3x1xf32>
    %add3A_14 = vector.broadcast %reshape3A : vector<3x1xf32> to vector<3x10000xf32>
    %add3A_15 = arith.addf %mul3A_11, %add3A_14 : vector<3x10000xf32>
    %max3A = arith.constant 0.000000e+00 : f32
    %max3A_16 = vector.broadcast %max3A : f32 to vector<3x10000xf32>
    %max3A_17 = arith.maximumf %add3A_15, %max3A_16 : vector<3x10000xf32>
    %get3A_18 = arith.constant 0 : index
    %get3A_19 = arith.constant 0 : index
    %get3A_20 = vector.load %arg4[%get3A_18, %get3A_19] : memref<3x4xf32, #tpu.memory_space<vmem>>, vector<3x4xf32>
    %dot_general3A = arith.constant dense<0.000000e+00> : vector<4x10000xf32>
    %dot_general3A_21 = tpu.matmul %get3A_20, %max3A_17, %dot_general3A {dimension_numbers = #tpu.dot_dimension_numbers<[0], [0], [1], [1], [0, 1, 1, 1], [], []>, transpose_lhs_hint = false} : vector<3x4xf32>, vector<3x10000xf32>, vector<4x10000xf32> -> vector<4x10000xf32>
    %get3A_22 = arith.constant 0 : index
    %get3A_23 = vector.load %arg5[%get3A_22] : memref<4xf32, #tpu.memory_space<vmem>>, vector<4xf32>
    %reshape3A_24 = vector.shape_cast %get3A_23 : vector<4xf32> to vector<4x1xf32>
    %add3A_25 = vector.broadcast %reshape3A_24 : vector<4x1xf32> to vector<4x10000xf32>
    %add3A_26 = arith.addf %dot_general3A_21, %add3A_25 : vector<4x10000xf32>
    %swap3A = arith.constant 0 : index
    %swap3A_27 = arith.constant 0 : index
    %swap3A_28 = vector.load %arg6[%swap3A, %swap3A_27] : memref<3x10000xf32, #tpu.memory_space<vmem>>, vector<3x10000xf32>
    tpu.vector_store %arg6[%swap3A, %swap3A_27], %max3A_17 {strides = array<i32>} : memref<3x10000xf32, #tpu.memory_space<vmem>>, vector<3x10000xf32>,
    %swap3A_29 = arith.constant 0 : index
    %swap3A_30 = arith.constant 0 : index
    %swap3A_31 = vector.load %arg7[%swap3A_29, %swap3A_30] : memref<4x10000xf32, #tpu.memory_space<vmem>>, vector<4x10000xf32>
    tpu.vector_store %arg7[%swap3A_29, %swap3A_30], %add3A_26 {strides = array<i32>} : memref<4x10000xf32, #tpu.memory_space<vmem>>, vector<4x10000xf32>,
    return
  }
}

</mosaic_0001>

<sc_bundles>
// kernel: kernel.10.cloned.1.call-start
scs
__scs_entry_jumppad:
0x0: {  	(pc) =	sbr.rel $0x88, $3  }
0x1: {  	(tag) =	ssettag $0x0;
	lr =	simm.s32 $0x1  }
0x2: {  	[smem:$0x3F9B] =	sst lr;
	_ =	strace $0xD0000000  }
0x3: {  	_ = 	snop  }
0x4: {  	_ = 	snop  }
0x5: {  	_ = 	snop  }
0x6: {  	_ = 	snop  }
0x7: {  	_ = 	snop  }
__scs_overlays_trampoline_lowered:
0x8: {  	[smem:$0x3FAA] =	sst s0  }
0x9: {  	[smem:$0x3FAB] =	sst s1  }
0xa: {  	[smem:$0x3FAC] =	sst s2  }
0xb: {  	[smem:$0x3FAD] =	sst s3  }
0xc: {  	[smem:$0x3FAE] =	sst s4  }
0xd: {  	[smem:$0x3FAF] =	sst s5  }
0xe: {  	[smem:$0x3FB0] =	sst s6  }
0xf: {  	[smem:$0x3FB1] =	sst s7  }
0x10: {  	[smem:$0x3FB2] =	sst s8  }
0x11: {  	[smem:$0x3FB3] =	sst s9;
	s0 =	simm.s32 @!p0 $0x0  }
0x12: {  	s1 =	sld [smem:$0x3F99];
	s0 =	simm.s32 @p0 $0x1  }
0x13: {  	[smem:$0x3FB4] =	sst s0;
	s0 =	simm.s32 @!p1 $0x0  }
0x14: {  	s2 =	sld [smem:$0x3F98];
	s0 =	simm.s32 @p1 $0x1  }
0x15: {  	[smem:$0x3FB5] =	sst s0;
	s0 =	simm.s32 @!p2 $0x0  }
0x16: {  	s3 =	sld [smem:$0x3FDB];
	s0 =	simm.s32 @p2 $0x1  }
0x17: {  	s4 =	simm.s32 $0x1BF5;
	[smem:$0x3FB7] =	sst s0  }
0x18: {  	s0 =	sld [smem:$0x3F9A];
	_ =	swait.ge [sflag:s4], $0x0  }
0x19: {  	s7 =	sld [smem:$0x3F9B]  }
0x1a: {  	s8 =	sadd.s32 $0xFFFFE003, lr  }
0x1b: {  	s9 =	sadd.s32 $0xFFFFFEF7, lr;
	s5 =	simm.s32 $0xFFFFFFFF;
	p2 =	slt.u32 s8, $0xFFFFF086  }
0x1c: {  	p1 =	slt.u32 s9, $0xF7A;
	s5 =	simm.s32 @!p2 $0x0  }
0x1d: {  	s5 =	simm.s32 @p1 $0x1;
	p0 =	seq.s32 s7, s2  }
0x1e: {  	s7 =	smul.u32 @!p0 $0xF7A, s2;
	p2 =	seq.s32 @!p0 s5, $0x0  }
0x1f: {  	s9 =	smul.u32 $0xF7A, s1;
	s8 =	simm.s32 @!p0 $0x1BF5;
	p2 =	por !p2, p0  }
0x20: {  	[sflag:s8] =	ssyncset.s32 @!p0 $0xFFFFF086;
	s6 =	sadd.s32 @!p0 s3, s7;
	s7 =	simm.s32 @!p0 $0x108  }
0x21: {  	s3 =	sadd.s32 s3, s9;
	s6 =	sadd.s32 @!p0 $0x88, s6;
	s7 =	simm.s32 @p2 $0x1082  }
0x22: {  	[simem:s7], [sflag:s8] =	dma.local @!p0 [hbm:s6], $0xF7A  }
0x23: {  	s9 =	sor.u32 $0xD0000000, s2;
	s6 =	simm.s32 $0x108;
	_ =	swait.ge @!p0 [sflag:s8], $0x0  }
0x24: {  	s3 =	sadd.s32 $0x88, s3;
	s6 =	simm.s32 @!p1 $0x1082;
	[sflag:s4] =	ssyncset.s32 $0xFFFFF086  }
0x25: {  	[simem:s6], [sflag:s4] =	dma.local [hbm:s3], $0xF7A  }
0x26: {  	[smem:$0x3F9B] =	sst s1;
	(tag) =	ssettag s2;
	_ =	strace s9  }
0x27: {  	s1 =	sld [smem:$0x3FAB]  }
0x28: {  	s2 =	sld [smem:$0x3FAC]  }
0x29: {  	s4 =	sld [smem:$0x3FAE]  }
0x2a: {  	p0 =	seq.s32 s5, $0x0;
	s5 =	sld [smem:$0x3FAF]  }
0x2b: {  	s6 =	sld [smem:$0x3FB0]  }
0x2c: {  	s7 =	sld [smem:$0x3FB1]  }
0x2d: {  	s3 =	simm.s32 $0x108;
	s8 =	sld [smem:$0x3FB2]  }
0x2e: {  	s3 =	simm.s32 @!p0 $0x1082;
	s9 =	sld [smem:$0x3FB3]  }
0x2f: {  	lr =	sadd.s32 s0, s3;
	s0 =	sld [smem:$0x3FAA]  }
0x30: {  	s3 =	sld [smem:$0x3FAD]  }
0x31: {  	[smem:$0x3FB6] =	sst s10  }
0x32: {  	s10 =	sld [smem:$0x3FB4];
	_ =	sdelay $0x3  }
0x33: {  	p0 =	seq.s32 s10, $0x1;
	s10 =	sld [smem:$0x3FB6];
	_ =	sdelay $0x3  }
0x34: {  	[smem:$0x3FB6] =	sst s10  }
0x35: {  	s10 =	sld [smem:$0x3FB5];
	_ =	sdelay $0x3  }
0x36: {  	p1 =	seq.s32 s10, $0x1;
	s10 =	sld [smem:$0x3FB6];
	_ =	sdelay $0x3  }
0x37: {  	[smem:$0x3FB6] =	sst s10  }
0x38: {  	s10 =	sld [smem:$0x3FB7]  }
0x39: {  	_ = 	snop;
	(pc) =	sbr.ind lr, $3  }
0x3a: {  	_ = 	snop  }
0x3b: {  	_ = 	snop  }
0x3c: {  	p2 =	seq.s32 s10, $0x1;
	s10 =	sld [smem:$0x3FB6]  }
0x3d: {  	_ =	shalt  }
0x3e: {  	_ =	shalt  }
0x3f: {  	_ =	shalt  }
0x40: {  	_ =	shalt  }
0x41: {  	_ =	shalt  }
0x42: {  	_ =	shalt  }
0x43: {  	_ =	shalt  }
0x44: {  	_ =	shalt  }
0x45: {  	_ =	shalt  }
0x46: {  	_ =	shalt  }
0x47: {  	_ =	shalt  }
0x48: {  	_ =	shalt  }
0x49: {  	_ =	shalt  }
0x4a: {  	_ =	shalt  }
0x4b: {  	_ =	shalt  }
0x4c: {  	_ =	shalt  }
0x4d: {  	_ =	shalt  }
0x4e: {  	_ =	shalt  }
0x4f: {  	_ =	shalt  }
0x50: {  	_ =	shalt  }
0x51: {  	_ =	shalt  }
0x52: {  	_ =	shalt  }
0x53: {  	_ =	shalt  }
0x54: {  	_ =	shalt  }
0x55: {  	_ =	shalt  }
0x56: {  	_ =	shalt  }
0x57: {  	_ =	shalt  }
0x58: {  	_ =	shalt  }
0x59: {  	_ =	shalt  }
0x5a: {  	_ =	shalt  }
0x5b: {  	_ =	shalt  }
0x5c: {  	_ =	shalt  }
0x5d: {  	_ =	shalt  }
0x5e: {  	_ =	shalt  }
0x5f: {  	_ =	shalt  }
0x60: {  	_ =	shalt  }
0x61: {  	_ =	shalt  }
0x62: {  	_ =	shalt  }
0x63: {  	_ =	shalt  }
0x64: {  	_ =	shalt  }
0x65: {  	_ =	shalt  }
0x66: {  	_ =	shalt  }
0x67: {  	_ =	shalt  }
0x68: {  	_ =	shalt  }
0x69: {  	_ =	shalt  }
0x6a: {  	_ =	shalt  }
0x6b: {  	_ =	shalt  }
0x6c: {  	_ =	shalt  }
0x6d: {  	_ =	shalt  }
0x6e: {  	_ =	shalt  }
0x6f: {  	_ =	shalt  }
0x70: {  	_ =	shalt  }
0x71: {  	_ =	shalt  }
0x72: {  	_ =	shalt  }
0x73: {  	_ =	shalt  }
0x74: {  	_ =	shalt  }
0x75: {  	_ =	shalt  }
0x76: {  	_ =	shalt  }
0x77: {  	_ =	shalt  }
0x78: {  	_ =	shalt  }
0x79: {  	_ =	shalt  }
0x7a: {  	_ =	shalt  }
0x7b: {  	_ =	shalt  }
0x7c: {  	_ =	shalt  }
0x7d: {  	_ =	shalt  }
0x7e: {  	_ =	shalt  }
0x7f: {  	_ =	shalt  }
0x80: {  	_ =	shalt  }
0x81: {  	_ =	shalt  }
0x82: {  	_ =	shalt  }
0x83: {  	_ =	shalt  }
0x84: {  	_ =	shalt  }
0x85: {  	_ =	shalt  }
0x86: {  	_ =	shalt  }
0x87: {  	_ =	shalt  }
.Lfunc_end0:
.L_simem_size_0:
called_computation.1_lowered:
.L_overlay_start_0:
0x88: {  	s2 =	sld [smem:$0x3FD9]  }
0x89: {  	s3 =	sld [smem:$0x3FFE];
	_ =	sdelay $0x1  }
0x8a: {  	s1 =	srdreg.scid  }
0x8b: {  	s0 =	sand.u32 $0x1, s1  }
0x8c: {  	s14 =	sshll.u32 s0, $0xA;
	s2 =	sadd.s32 s3, s2  }
0x8d: {  	s2 =	sadd.s32 s2, s14  }
0x8e: {  	[smem:$0x3FC2] =	sst s2  }
0x8f: {  	_ = 	snop  }
0x90: {  	s2 =	sld [smem:$0x3FD0];
	_ =	sdelay $0x2  }
0x91: {  	s4 =	simm.s32 $0xA;
	s5 =	simm.s32 $0x10;
	s15 =	sld [smem:$0x3FC8]  }
0x92: {  	[smem:s5], [sflag:s4] =	dma.local [hbm:s2], $0x1  }
0x93: {  	_ =	swait.eq [sflag:s4], $0x1  }
0x94: {  	[sflag:s4] =	ssyncset.done $0x0  }
0x95: {  	[sflag:s4] =	ssyncadd.s32 $0xFFFFFFFF  }
0x96: {  	s16 =	sld [smem:$0x11];
	(tm) =	ssettm $0x1  }
0x97: {  	s17 =	sld [smem:$0x3FFB];
	_ =	sdelay $0x3  }
0x98: {  	_ =	strace s17  }
0x99: {  	s4 =	sld [smem:$0x3FFC];
	_ =	sdelay $0x3  }
0x9a: {  	_ =	strace s4  }
0x9b: {  	s4 =	sld [smem:$0x3FFD];
	_ =	sdelay $0x3  }
0x9c: {  	_ =	strace s4  }
0x9d: {  	_ =	strace $0x8FFFFFFF  }
0x9e: {  	s18 =	sld [smem:$0x3FDB];
	_ =	sdelay $0x1  }
0x9f: {  	s19 =	simm.s32 $_scs_section_size  }
0xa0: {  	s6 =	simm.s32 $_size__tile_overlayer_lowered;
	s7 =	simm.s32 $_tile_overlayer_lowered  }
0xa1: {  	s22 =	simm.s32 $0x1BFF;
	s21 =	sshll.u32 s7, $0x1;
	s4 =	sadd.s32 s19, s18  }
0xa2: {  	s8 =	simm.s32 $0x0;
	s20 =	sshll.u32 s6, $0x1;
	s6 =	sadd.s32 s21, s4  }
0xa3: {  	[timem:s8], [sflag:s22] =	dma.local [hbm:s6], s20  }
0xa4: {  	_ =	swait.ge [sflag:s22], s20  }
0xa5: {  	s5 =	ssub.s32 $0x0, s20;
	[sflag:s22] =	ssyncset.done $0x0  }
0xa6: {  	[sflag:s22] =	ssyncadd.s32 s5;
	_ =	sdelay $0x1  }
0xa7: {  	s23 =	simm.s32 $0x1B8B  }
0xa8: {  	_ =	swait.ge [sflag:s23], $0x1  }
0xa9: {  	[sflag:s23] =	ssyncset.done $0x0  }
0xaa: {  	s25 =	simm.s32 $0x1B8E;
	s24 =	sld [smem:$0x3FFE];
	[sflag:s23] =	ssyncadd.s32 $0xFFFFFFFF  }
0xab: {  	s26 =	simm.s32 $execute0_lowered;
	[smem:$0x3FD2] =	sst s25  }
0xac: {  	s6 =	sshll.u32 s26, $0x1;
	_ =	strace $0x80000049;
	[dreg:$0x1] =	wrdreg $0xFFFFFFFF  }
0xad: {  	s28 =	simm.s32 $_size_execute0_lowered;
	s4 =	sadd.s32 s4, s6;
	[dreg:$0x0] =	wrdreg $0x0  }
0xae: {  	s6 =	sshll.u32 s28, $0x1;
	[dreg:$0x2] =	wrdreg s4  }
0xaf: {  	[dreg:$0x3] =	wrdreg s6  }
0xb0: {  	[dreg:$0x4] =	wrdreg $0xC0  }
0xb1: {  	_ =	task [dreg:s8], $0x5FFFF  }
0xb2: {  	[dreg:$0x1] =	wrdreg $0xFFFFFFFF  }
0xb3: {  	[dreg:$0x0] =	wrdreg $0x60  }
0xb4: {  	[dreg:$0x2] =	wrdreg s15  }
0xb5: {  	[dreg:$0x3] =	wrdreg s16  }
0xb6: {  	[dreg:$0x4] =	wrdreg s24  }
0xb7: {  	[dreg:$0x5] =	wrdreg $0x9  }
0xb8: {  	_ =	task.clear_ibuf [dreg:s8], $0x6FFFF;
	_ =	strace $0x90000049  }
0xb9: {  	s29 =	simm.s32 $0x9;
	_ =	strace $0x8000004B  }
0xba: {  	_ =	swait.ge [sflag:s29], $0x1  }
0xbb: {  	[sflag:s29] =	ssyncadd.s32 $0xFFFFFFFF  }
0xbc: {  	_ =	strace $0x9000004B  }
0xbd: {  	_ =	sfence  }
0xbe: {  	s30 =	sld [smem:$0x0];
	_ =	sdelay $0x2  }
0xbf: {  	s31 =	sshll.u32 s1, $0xD;
	s1 =	sshrl.u32 s1, $0x2  }
0xc0: {  	s3 =	sand.u32 $0x4000, s31;
	s1 =	sadd.s32 s1, s30  }
0xc1: {  	s0 =	sor.u32 s3, s0;
	s1 =	sshll.u32 s1, $0x11  }
0xc2: {  	s0 =	sor.u32 s1, s0  }
0xc3: {  	s0 =	sadd.s32 $0x8F2B, s0  }
0xc4: {  	[sflag:s0] =	ssyncadd.remote.s32 $0x1  }
0xc5: {  	_ =	sfence.sel $0xFFFF  }
0xc6: {  	[dreg:$0x0] =	wrdreg $0xFFFFFFFF;
	(pc) =	sbr.abs _section_cstart, $3  }
0xc7: {  	[dreg:$0x1] =	wrdreg $0xFFFFFFFF  }
0xc8: {  	_ =	task.clear_ibuf [dreg:s8], $0x2FFFF;
	_ =	strace $0x9FFFFFFF  }
0xc9: {  	(tm) =	ssettm $0x7FFFFFFF  }
tec
execute0_lowered:
.L_overlay_start_1:
0x0: {  	(tag) =	ssettag $0x1  }
0x1: {  	s4 =	rddreg [dreg:$0x0]  }
0x2: {  	s0 =	srdreg.scid;
	s2 =	rddreg [dreg:$0x1]  }
0x3: {  	s6 =	rddreg [dreg:$0x2];
	s3 =	simm.s32 $0x0;
	s12 =	simm.s32 $0x2  }
0x4: {  	s13 =	simm.s32 $0x0;
	s5 =	sand.u32 $0x1, s0;
	s0 =	stileid.u32  }
0x5: {  	[smem:$0x7FF] =	sst s3;
	s1 =	sshll.u32 s5, $0x4;
	s9 =	sshll.u32 s0, $0x7  }
0x6: {  	s5 =	ssub.s32 $0x2, s5;
	s7 =	sor.u32 s0, s1;
	s1 =	rddreg [dreg:$0x3]  }
0x7: {  	s9 =	sand.u32 $0x380, s9;
	s8 =	sshrl.u32 s7, $0x3;
	s10 =	smul.u32 $0x2700, s7  }
0x8: {  	_ =	strace $0x8000004A;
	s31 =	sshrl.u32 s5, $0x1;
	s8 =	smul.u32 $0x3C000, s8  }
0x9: {  	s11 =	smin.u32 s7, $0x4;
	p0 =	sgt.u32 s7, $0x3;
	s7 =	simm.s32 $0x4F00  }
.Ltmp0:
0xa: {  	s30 =	sshll.u32 s11, $0x7;
	s8 =	sor.u32 s9, s8;
	(pc) =	sbr.rel .LBB2_1-.Ltmp0, $4  }
0xb: {  	s11 =	simm.s32 $0x400;
	s9 =	sadd.s32 s10, s30;
	s8 =	sshrl.u32 s8, $0x3  }
0xc: {  	s10 =	simm.s32 $0x80;
	s9 =	sshrl.u32 s9, $0x2;
	s6 =	sadd.s32 s8, s6  }
0xd: {  	s8 =	ssub.s32 s5, s31;
	s4 =	sadd.s32 s4, s9;
	s9 =	simm.s32 $0xC480  }
0xe: {  	v0 =	vimm.f32 $0.0e+00;
	s5 =	sadd.s32 $0x1C00, s6;
	s6 =	smax.u32 s8, $0x1;
	s8 =	simm.s32 $0x1  }
.LBB2_11:
0xf: {  	_ =	sdelay $0x3  }
0x10: {  	[tilespmem:v30+s9+$0x0] =	vst.idx.add.f32.msk $0xffff, v23  }
0x11: {  	v49 =	vld.idx.msk [tilespmem:v24+s7+$0x0], $0xffff  }
0x12: {  	[tilespmem:v8+s9+$0x0] =	vst.idx.add.f32.msk $0xffff, v21  }
0x13: {  	[tilespmem:v29+s9+$0x0] =	vst.idx.add.f32.msk $0xffff, v27  }
0x14: {  	v52 =	vld.idx.msk [tilespmem:v26+s7+$0x0], $0xffff  }
0x15: {  	v10 =	vld.idx.msk [tilespmem:v10+s7+$0x0], $0xffff  }
0x16: {  	v53 =	vld.idx.msk [tilespmem:v19+s7+$0x0], $0xffff  }
0x17: {  	v55 =	vld.idx.msk [tilespmem:v22+s7+$0x0], $0xffff  }
0x18: {  	[tilespmem:v5+s9+$0x0] =	vst.idx.add.f32.msk $0xffff, v16  }
0x19: {  	v14 =	vld.idx.msk [tilespmem:v14+s7+$0x0], $0xffff  }
0x1a: {  	v57 =	vld.idx.msk [tilespmem:v17+s7+$0x0], $0xffff  }
0x1b: {  	v7 =	vld.idx.msk [tilespmem:v7+s7+$0x0], $0xffff  }
0x1c: {  	v50 =	vadd.s32 $0x2800, v8;
	[tilespmem:v4+s9+$0x0] =	vst.idx.add.f32.msk $0xffff, v13  }
0x1d: {  	v54 =	vadd.s32 $0x2800, v5;
	v6 =	vld.idx.msk [tilespmem:v6+s7+$0x0], $0xffff  }
0x1e: {  	v11 =	vld.idx.msk [tilespmem:v11+s7+$0x0], $0xffff  }
0x1f: {  	v58 =	vadd.s32 $0x2800, v4;
	v9 =	vld.idx.msk [tilespmem:v9+s7+$0x0], $0xffff  }
0x20: {  	[tilespmem:v15+s9+$0x0] =	vst.idx.add.f32.msk $0xffff, v20  }
0x21: {  	[tilespmem:v50+s9+$0x0] =	vst.idx.add.f32.msk $0xffff, v25  }
0x22: {  	v51 =	vadd.s32 $0x5000, v8;
	[tilespmem:v54+s9+$0x0] =	vst.idx.add.f32.msk $0xffff, v49  }
0x23: {  	v56 =	vadd.s32 $0x5000, v5;
	[tilespmem:v3+s9+$0x0] =	vst.idx.add.f32.msk $0xffff, v10  }
0x24: {  	v59 =	vadd.s32 $0x5000, v4;
	[tilespmem:v58+s9+$0x0] =	vst.idx.add.f32.msk $0xffff, v14  }
0x25: {  	v60 =	vadd.s32 $0x2800, v2;
	[tilespmem:v2+s9+$0x0] =	vst.idx.add.f32.msk $0xffff, v6  }
0x26: {  	v61 =	vadd.s32 $0x2800, v3;
	[tilespmem:v1+s9+$0x0] =	vst.idx.add.f32.msk $0xffff, v7  }
0x27: {  	v62 =	vadd.s32 $0x2800, v1;
	[tilespmem:v51+s9+$0x0] =	vst.idx.add.f32.msk $0xffff, v28  }
0x28: {  	v63 =	vadd.s32 $0x5000, v1;
	[tilespmem:v56+s9+$0x0] =	vst.idx.add.f32.msk $0xffff, v18  }
0x29: {  	v3 =	vadd.s32 $0x5000, v3;
	[tilespmem:v59+s9+$0x0] =	vst.idx.add.f32.msk $0xffff, v12  }
0x2a: {  	v2 =	vadd.s32 $0x5000, v2;
	[tilespmem:v60+s9+$0x0] =	vst.idx.add.f32.msk $0xffff, v57  }
0x2b: {  	[tilespmem:v61+s9+$0x0] =	vst.idx.add.f32.msk $0xffff, v9  }
0x2c: {  	[tilespmem:v62+s9+$0x0] =	vst.idx.add.f32.msk $0xffff, v11  }
0x2d: {  	[tilespmem:v63+s9+$0x0] =	vst.idx.add.f32.msk $0xffff, v52  }
0x2e: {  	[tilespmem:v3+s9+$0x0] =	vst.idx.add.f32.msk $0xffff, v53  }
0x2f: {  	[tilespmem:v2+s9+$0x0] =	vst.idx.add.f32.msk $0xffff, v55  }
.LBB2_12:
0x30: {  	s13 =	sadd.s32 $0x1, s13  }
0x31: {  	p1 =	sne.s32 s13, s6  }
.Ltmp1:
0x32: {  	_ = 	snop;
	(pc) =	sbr.rel @!p1 .LBB2_13-.Ltmp1, $4  }
0x33: {  	[hbm4b:s5+s10] =	stream.strided.scatter [tilespmem:s9], [sflag:$0x2], $0x7800, s11, s10, $0x38;
	[tilespmem:$0x13C80] =	vst v63  }
0x34: {  	_ =	swait.ge [sflag:s12], $0x7800  }
0x35: {  	[sflag:s12] =	ssyncset.done $0x0  }
0x36: {  	[sflag:s12] =	ssyncadd.s32 $0xFFFF8800  }
.LBB2_1:
.Ltmp2:
0x37: {  	(pc) =	sbr.rel @p0 .LBB2_7-.Ltmp2, $1  }
0x38: {  	_ =	sdelay $0x3  }
0x39: {  	[tilespmem:s3], [sflag:$0x1] =	stream.linear.gather [hbm4b:s4+s3], $0x4F00, $0x38;
	[tilespmem:$0x13C80] =	vst v63  }
0x3a: {  	s14 =	simm.s32 $0xC4C0  }
0x3b: {  	[tilespmem:s7], [sflag:$0x1] =	stream.linear.gather [hbm4b:s2+s3], $0x7580, $0x38;
	[tilespmem:$0x13C80] =	vst v63  }
0x3c: {  	[tilespmem:s14+$0xFFFFFFC0] =	vst v0  }
0x3d: {  	[tilespmem:s14+$0x30] =	vst v0  }
0x3e: {  	[tilespmem:s14+$0x20] =	vst v0  }
0x3f: {  	[tilespmem:s14+$0x10] =	vst v0  }
0x40: {  	[tilespmem:s14+$0x0] =	vst v0  }
0x41: {  	[tilespmem:s14+$0xFFFFFFF0] =	vst v0  }
0x42: {  	s15 =	simm.s32 $0x0;
	[tilespmem:s14+$0xFFFFFFE0] =	vst v0  }
.LBB2_3:
0x43: {  	s15 =	sadd.s32 $0x80, s15;
	[tilespmem:s14+$0xFFFFFFD0] =	vst v0;
	s14 =	sadd.s32 $0x80, s14  }
0x44: {  	[tilespmem:s14+$0xFFFFFFC0] =	vst v0;
	p1 =	slt.u32 s15, $0x7780  }
0x45: {  	[tilespmem:s14+$0x30] =	vst v0  }
.Ltmp3:
0x46: {  	[tilespmem:s14+$0x20] =	vst v0;
	(pc) =	sbr.rel @p1 .LBB2_3-.Ltmp3, $4  }
0x47: {  	[tilespmem:s14+$0x10] =	vst v0  }
0x48: {  	[tilespmem:s14+$0x0] =	vst v0  }
0x49: {  	[tilespmem:s14+$0xFFFFFFF0] =	vst v0  }
0x4a: {  	[tilespmem:s14+$0xFFFFFFE0] =	vst v0  }
0x4b: {  	[tilespmem:s14+$0xFFFFFFD0] =	vst v0  }
0x4c: {  	_ =	swait.ge [sflag:s8], $0x4F00  }
0x4d: {  	[sflag:s8] =	ssyncset.done $0x0  }
0x4e: {  	[sflag:s8] =	ssyncadd.s32 $0xFFFFB100  }
0x4f: {  	_ =	swait.ge [sflag:s8], $0x7580  }
0x50: {  	[sflag:s8] =	ssyncset.done $0x0  }
0x51: {  	s14 =	simm.s32 $0x80;
	[sflag:s8] =	ssyncadd.s32 $0xFFFF8A80  }
0x52: {  	v1 =	vld [tilespmem:s14+$0x10]  }
0x53: {  	v2 =	vld [tilespmem:s14+$0x20]  }
0x54: {  	v3 =	vld [tilespmem:s14+$0x30]  }
0x55: {  	v4 =	vld [tilespmem:s14+$0x40]  }
0x56: {  	v5 =	vld [tilespmem:s14+$0x50]  }
0x57: {  	v8 =	vld [tilespmem:s14+$0x60]  }
0x58: {  	v29 =	vld [tilespmem:s14+$0x70]  }
0x59: {  	v30 =	vld [tilespmem:s14+$0x0]  }
0x5a: {  	v9 =	vld [tilespmem:s14+$0xFFFFFF80]  }
0x5b: {  	v11 =	vld [tilespmem:s14+$0xFFFFFFF0]  }
0x5c: {  	v12 =	vld [tilespmem:s14+$0xFFFFFFE0]  }
0x5d: {  	v14 =	vld [tilespmem:s14+$0xFFFFFFD0]  }
0x5e: {  	v17 =	vld [tilespmem:s14+$0xFFFFFFC0]  }
0x5f: {  	v10 =	vld [tilespmem:s14+$0xFFFFFFB0]  }
0x60: {  	v6 =	vld [tilespmem:s14+$0xFFFFFFA0]  }
0x61: {  	v7 =	vld [tilespmem:s14+$0xFFFFFF90];
	v13 =	vadd.s32 $0x4E20, v9  }
0x62: {  	v15 =	vadd.s32 $0x4E20, v11;
	v18 =	vld.idx.msk [tilespmem:v9+s7+$0x0], $0xffff  }
0x63: {  	v19 =	vld.idx.msk [tilespmem:v11+s7+$0x0], $0xffff  }
0x64: {  	v22 =	vadd.s32 $0x2710, v12;
	v21 =	vld.idx.msk [tilespmem:v12+s7+$0x0], $0xffff  }
0x65: {  	v26 =	vadd.s32 $0x4E20, v17;
	v16 =	vld.idx.msk [tilespmem:v14+s7+$0x0], $0xffff  }
0x66: {  	v9 =	vadd.s32 $0x2710, v9;
	v23 =	vld.idx.msk [tilespmem:v13+s7+$0x0], $0xffff  }
0x67: {  	v28 =	vadd.s32 $0x4E20, v12;
	v20 =	vld.idx.msk [tilespmem:v15+s7+$0x0], $0xffff  }
0x68: {  	v13 =	vld.idx.msk [tilespmem:v17+s7+$0x0], $0xffff  }
0x69: {  	v11 =	vadd.s32 $0x2710, v11;
	v25 =	vld.idx.msk [tilespmem:v22+s7+$0x0], $0xffff  }
0x6a: {  	v12 =	vld.idx.msk [tilespmem:v26+s7+$0x0], $0xffff  }
0x6b: {  	v31 =	vld.idx.msk [tilespmem:v9+s7+$0x0], $0xffff;
	v9 =	vadd.s32 $0x4E20, v14  }
0x6c: {  	v32 =	vadd.s32 $0x2800, v30;
	v28 =	vld.idx.msk [tilespmem:v28+s7+$0x0], $0xffff  }
0x6d: {  	[tilespmem:v30+s9+$0x0] =	vst.idx.add.f32.msk $0xffff, v18;
	v30 =	vadd.s32 $0x5000, v30  }
0x6e: {  	v24 =	vadd.s32 $0x2710, v14;
	v27 =	vld.idx.msk [tilespmem:v11+s7+$0x0], $0xffff  }
0x6f: {  	v15 =	vadd.s32 $0x5000, v29;
	v26 =	vadd.s32 $0x4E20, v7;
	v22 =	vadd.s32 $0x4E20, v6;
	[tilespmem:v29+s9+$0x0] =	vst.idx.add.f32.msk $0xffff, v19  }
0x70: {  	v14 =	vadd.s32 $0x2710, v17;
	v19 =	vadd.s32 $0x4E20, v10;
	v29 =	vadd.s32 $0x2800, v29;
	v18 =	vld.idx.msk [tilespmem:v9+s7+$0x0], $0xffff  }
0x71: {  	s15 =	simm.s32 $0x0;
	v17 =	vadd.s32 $0x2710, v6;
	v11 =	vadd.s32 $0x2710, v7;
	v9 =	vadd.s32 $0x2710, v10;
	[tilespmem:v32+s9+$0x0] =	vst.idx.add.f32.msk $0xffff, v31  }
.LBB2_5:
0x72: {  	s15 =	sadd.s32 $0x80, s15;
	[tilespmem:v30+s9+$0x0] =	vst.idx.add.f32.msk $0xffff, v23;
	s14 =	sadd.s32 $0x100, s14  }
0x73: {  	p1 =	slt.u32 s15, $0x2700;
	v23 =	vld.idx.msk [tilespmem:v24+s7+$0x0], $0xffff  }
0x74: {  	[tilespmem:v8+s9+$0x0] =	vst.idx.add.f32.msk $0xffff, v21;
	v21 =	vadd.s32 $0x2800, v8  }
0x75: {  	v8 =	vadd.s32 $0x5000, v8;
	[tilespmem:v29+s9+$0x0] =	vst.idx.add.f32.msk $0xffff, v27  }
0x76: {  	v24 =	vld.idx.msk [tilespmem:v26+s7+$0x0], $0xffff  }
0x77: {  	[tilespmem:v15+s9+$0x0] =	vst.idx.add.f32.msk $0xffff, v20  }
0x78: {  	v10 =	vld.idx.msk [tilespmem:v10+s7+$0x0], $0xffff  }
0x79: {  	[tilespmem:v21+s9+$0x0] =	vst.idx.add.f32.msk $0xffff, v25  }
0x7a: {  	[tilespmem:v8+s9+$0x0] =	vst.idx.add.f32.msk $0xffff, v28  }
0x7b: {  	v15 =	vadd.s32 $0x2800, v5;
	v8 =	vld.idx.msk [tilespmem:v19+s7+$0x0], $0xffff  }
0x7c: {  	v19 =	vld.idx.msk [tilespmem:v22+s7+$0x0], $0xffff  }
0x7d: {  	[tilespmem:v5+s9+$0x0] =	vst.idx.add.f32.msk $0xffff, v16;
	v5 =	vadd.s32 $0x5000, v5  }
0x7e: {  	v14 =	vld.idx.msk [tilespmem:v14+s7+$0x0], $0xffff  }
0x7f: {  	v16 =	vld.idx.msk [tilespmem:v17+s7+$0x0], $0xffff  }
0x80: {  	[tilespmem:v15+s9+$0x0] =	vst.idx.add.f32.msk $0xffff, v23  }
0x81: {  	v7 =	vld.idx.msk [tilespmem:v7+s7+$0x0], $0xffff  }
0x82: {  	[tilespmem:v5+s9+$0x0] =	vst.idx.add.f32.msk $0xffff, v18  }
0x83: {  	v5 =	vadd.s32 $0x2800, v4;
	[tilespmem:v4+s9+$0x0] =	vst.idx.add.f32.msk $0xffff, v13  }
0x84: {  	v4 =	vadd.s32 $0x5000, v4;
	v6 =	vld.idx.msk [tilespmem:v6+s7+$0x0], $0xffff  }
0x85: {  	v11 =	vld.idx.msk [tilespmem:v11+s7+$0x0], $0xffff  }
0x86: {  	v13 =	vadd.s32 $0x2800, v2;
	v9 =	vld.idx.msk [tilespmem:v9+s7+$0x0], $0xffff  }
0x87: {  	[tilespmem:v3+s9+$0x0] =	vst.idx.add.f32.msk $0xffff, v10;
	v10 =	vadd.s32 $0x2800, v3  }
0x88: {  	[tilespmem:v5+s9+$0x0] =	vst.idx.add.f32.msk $0xffff, v14  }
0x89: {  	v5 =	vadd.s32 $0x2800, v1;
	[tilespmem:v4+s9+$0x0] =	vst.idx.add.f32.msk $0xffff, v12  }
0x8a: {  	v3 =	vadd.s32 $0x5000, v3;
	[tilespmem:v2+s9+$0x0] =	vst.idx.add.f32.msk $0xffff, v6  }
0x8b: {  	v4 =	vadd.s32 $0x5000, v1;
	v2 =	vadd.s32 $0x5000, v2;
	[tilespmem:v13+s9+$0x0] =	vst.idx.add.f32.msk $0xffff, v16  }
0x8c: {  	[tilespmem:v10+s9+$0x0] =	vst.idx.add.f32.msk $0xffff, v9  }
0x8d: {  	[tilespmem:v1+s9+$0x0] =	vst.idx.add.f32.msk $0xffff, v7  }
0x8e: {  	[tilespmem:v5+s9+$0x0] =	vst.idx.add.f32.msk $0xffff, v11  }
0x8f: {  	[tilespmem:v3+s9+$0x0] =	vst.idx.add.f32.msk $0xffff, v8  }
0x90: {  	[tilespmem:v4+s9+$0x0] =	vst.idx.add.f32.msk $0xffff, v24  }
0x91: {  	[tilespmem:v2+s9+$0x0] =	vst.idx.add.f32.msk $0xffff, v19  }
0x92: {  	v1 =	vld [tilespmem:s14+$0x10]  }
0x93: {  	v2 =	vld [tilespmem:s14+$0x20]  }
0x94: {  	v3 =	vld [tilespmem:s14+$0x30]  }
0x95: {  	v4 =	vld [tilespmem:s14+$0x40]  }
0x96: {  	v5 =	vld [tilespmem:s14+$0x50]  }
0x97: {  	v8 =	vld [tilespmem:s14+$0x60]  }
0x98: {  	v29 =	vld [tilespmem:s14+$0x70]  }
0x99: {  	v12 =	vld [tilespmem:s14+$0x0]  }
0x9a: {  	v9 =	vld [tilespmem:s14+$0xFFFFFF80]  }
0x9b: {  	v11 =	vld [tilespmem:s14+$0xFFFFFFF0]  }
0x9c: {  	v13 =	vld [tilespmem:s14+$0xFFFFFFE0]  }
0x9d: {  	v16 =	vld [tilespmem:s14+$0xFFFFFFD0];
	v15 =	vadd.s32 $0x5000, v29  }
0x9e: {  	v18 =	vld [tilespmem:s14+$0xFFFFFFC0]  }
0x9f: {  	v25 =	vadd.s32 $0x2710, v9;
	v17 =	vadd.s32 $0x4E20, v9;
	v10 =	vld [tilespmem:s14+$0xFFFFFFB0]  }
0xa0: {  	v6 =	vld [tilespmem:s14+$0xFFFFFFA0];
	v27 =	vadd.s32 $0x2710, v11;
	v20 =	vadd.s32 $0x4E20, v11  }
0xa1: {  	v7 =	vld [tilespmem:s14+$0xFFFFFF90];
	v28 =	vadd.s32 $0x2710, v13;
	v31 =	vadd.s32 $0x4E20, v13  }
0xa2: {  	v30 =	vld.idx.msk [tilespmem:v9+s7+$0x0], $0xffff;
	v24 =	vadd.s32 $0x2710, v16;
	v32 =	vadd.s32 $0x4E20, v16  }
0xa3: {  	v14 =	vadd.s32 $0x2710, v18;
	v33 =	vadd.s32 $0x4E20, v18;
	v34 =	vld.idx.msk [tilespmem:v11+s7+$0x0], $0xffff  }
0xa4: {  	v23 =	vld.idx.msk [tilespmem:v17+s7+$0x0], $0xffff;
	v9 =	vadd.s32 $0x2710, v10;
	v19 =	vadd.s32 $0x4E20, v10  }
0xa5: {  	v17 =	vadd.s32 $0x2710, v6;
	v21 =	vld.idx.msk [tilespmem:v13+s7+$0x0], $0xffff  }
0xa6: {  	v22 =	vadd.s32 $0x4E20, v6;
	v11 =	vadd.s32 $0x2710, v7;
	v26 =	vadd.s32 $0x4E20, v7;
	v16 =	vld.idx.msk [tilespmem:v16+s7+$0x0], $0xffff  }
0xa7: {  	v20 =	vld.idx.msk [tilespmem:v20+s7+$0x0], $0xffff  }
0xa8: {  	v35 =	vld.idx.msk [tilespmem:v25+s7+$0x0], $0xffff  }
0xa9: {  	[tilespmem:v12+s9+$0x0] =	vst.idx.add.f32.msk $0xffff, v30  }
0xaa: {  	v13 =	vld.idx.msk [tilespmem:v18+s7+$0x0], $0xffff  }
0xab: {  	v25 =	vld.idx.msk [tilespmem:v28+s7+$0x0], $0xffff  }
0xac: {  	v36 =	vadd.s32 $0x2800, v12;
	v27 =	vld.idx.msk [tilespmem:v27+s7+$0x0], $0xffff  }
.Ltmp4:
0xad: {  	v30 =	vadd.s32 $0x5000, v12;
	[tilespmem:v29+s9+$0x0] =	vst.idx.add.f32.msk $0xffff, v34;
	(pc) =	sbr.rel @p1 .LBB2_5-.Ltmp4, $4  }
0xae: {  	v18 =	vld.idx.msk [tilespmem:v32+s7+$0x0], $0xffff  }
0xaf: {  	v12 =	vld.idx.msk [tilespmem:v33+s7+$0x0], $0xffff  }
0xb0: {  	v29 =	vadd.s32 $0x2800, v29;
	v28 =	vld.idx.msk [tilespmem:v31+s7+$0x0], $0xffff  }
0xb1: {  	[tilespmem:v36+s9+$0x0] =	vst.idx.add.f32.msk $0xffff, v35  }
0xb2: {  	_ =	sdelay $0x3  }
0xb3: {  	[tilespmem:v30+s9+$0x0] =	vst.idx.add.f32.msk $0xffff, v23  }
0xb4: {  	v49 =	vld.idx.msk [tilespmem:v24+s7+$0x0], $0xffff  }
0xb5: {  	[tilespmem:v8+s9+$0x0] =	vst.idx.add.f32.msk $0xffff, v21  }
0xb6: {  	[tilespmem:v29+s9+$0x0] =	vst.idx.add.f32.msk $0xffff, v27  }
0xb7: {  	v52 =	vld.idx.msk [tilespmem:v26+s7+$0x0], $0xffff  }
0xb8: {  	v10 =	vld.idx.msk [tilespmem:v10+s7+$0x0], $0xffff  }
0xb9: {  	v53 =	vld.idx.msk [tilespmem:v19+s7+$0x0], $0xffff  }
0xba: {  	v55 =	vld.idx.msk [tilespmem:v22+s7+$0x0], $0xffff  }
0xbb: {  	[tilespmem:v5+s9+$0x0] =	vst.idx.add.f32.msk $0xffff, v16  }
0xbc: {  	v14 =	vld.idx.msk [tilespmem:v14+s7+$0x0], $0xffff  }
0xbd: {  	v57 =	vld.idx.msk [tilespmem:v17+s7+$0x0], $0xffff  }
0xbe: {  	v7 =	vld.idx.msk [tilespmem:v7+s7+$0x0], $0xffff  }
0xbf: {  	v50 =	vadd.s32 $0x2800, v8;
	[tilespmem:v4+s9+$0x0] =	vst.idx.add.f32.msk $0xffff, v13  }
0xc0: {  	v54 =	vadd.s32 $0x2800, v5;
	v6 =	vld.idx.msk [tilespmem:v6+s7+$0x0], $0xffff  }
0xc1: {  	v11 =	vld.idx.msk [tilespmem:v11+s7+$0x0], $0xffff  }
0xc2: {  	v58 =	vadd.s32 $0x2800, v4;
	v9 =	vld.idx.msk [tilespmem:v9+s7+$0x0], $0xffff  }
0xc3: {  	[tilespmem:v15+s9+$0x0] =	vst.idx.add.f32.msk $0xffff, v20  }
0xc4: {  	[tilespmem:v50+s9+$0x0] =	vst.idx.add.f32.msk $0xffff, v25  }
0xc5: {  	v51 =	vadd.s32 $0x5000, v8;
	[tilespmem:v54+s9+$0x0] =	vst.idx.add.f32.msk $0xffff, v49  }
0xc6: {  	v56 =	vadd.s32 $0x5000, v5;
	[tilespmem:v3+s9+$0x0] =	vst.idx.add.f32.msk $0xffff, v10  }
0xc7: {  	v59 =	vadd.s32 $0x5000, v4;
	[tilespmem:v58+s9+$0x0] =	vst.idx.add.f32.msk $0xffff, v14  }
0xc8: {  	v60 =	vadd.s32 $0x2800, v2;
	[tilespmem:v2+s9+$0x0] =	vst.idx.add.f32.msk $0xffff, v6  }
0xc9: {  	v61 =	vadd.s32 $0x2800, v3;
	[tilespmem:v1+s9+$0x0] =	vst.idx.add.f32.msk $0xffff, v7  }
0xca: {  	v62 =	vadd.s32 $0x2800, v1;
	[tilespmem:v51+s9+$0x0] =	vst.idx.add.f32.msk $0xffff, v28  }
0xcb: {  	v63 =	vadd.s32 $0x5000, v1;
	[tilespmem:v56+s9+$0x0] =	vst.idx.add.f32.msk $0xffff, v18  }
0xcc: {  	v3 =	vadd.s32 $0x5000, v3;
	[tilespmem:v59+s9+$0x0] =	vst.idx.add.f32.msk $0xffff, v12  }
0xcd: {  	v2 =	vadd.s32 $0x5000, v2;
	[tilespmem:v60+s9+$0x0] =	vst.idx.add.f32.msk $0xffff, v57  }
.Ltmp5:
0xce: {  	[tilespmem:v61+s9+$0x0] =	vst.idx.add.f32.msk $0xffff, v9;
	(pc) =	sbr.rel .LBB2_12-.Ltmp5, $4  }
0xcf: {  	[tilespmem:v62+s9+$0x0] =	vst.idx.add.f32.msk $0xffff, v11  }
0xd0: {  	[tilespmem:v63+s9+$0x0] =	vst.idx.add.f32.msk $0xffff, v52  }
0xd1: {  	[tilespmem:v3+s9+$0x0] =	vst.idx.add.f32.msk $0xffff, v53  }
0xd2: {  	[tilespmem:v2+s9+$0x0] =	vst.idx.add.f32.msk $0xffff, v55  }
.LBB2_7:
0xd3: {  	[tilespmem:s3], [sflag:$0x1] =	stream.linear.gather [hbm4b:s4+s3], $0x4E00, $0x38;
	[tilespmem:$0x13C80] =	vst v63  }
0xd4: {  	s14 =	simm.s32 $0xC4C0  }
0xd5: {  	[tilespmem:s7], [sflag:$0x1] =	stream.linear.gather [hbm4b:s2+s3], $0x7580, $0x38;
	[tilespmem:$0x13C80] =	vst v63  }
0xd6: {  	[tilespmem:s14+$0xFFFFFFC0] =	vst v0  }
0xd7: {  	[tilespmem:s14+$0x30] =	vst v0  }
0xd8: {  	[tilespmem:s14+$0x20] =	vst v0  }
0xd9: {  	[tilespmem:s14+$0x10] =	vst v0  }
0xda: {  	[tilespmem:s14+$0x0] =	vst v0  }
0xdb: {  	[tilespmem:s14+$0xFFFFFFF0] =	vst v0  }
0xdc: {  	s15 =	simm.s32 $0x0;
	[tilespmem:s14+$0xFFFFFFE0] =	vst v0  }
.LBB2_8:
0xdd: {  	s15 =	sadd.s32 $0x80, s15;
	[tilespmem:s14+$0xFFFFFFD0] =	vst v0;
	s14 =	sadd.s32 $0x80, s14  }
0xde: {  	[tilespmem:s14+$0xFFFFFFC0] =	vst v0;
	p1 =	slt.u32 s15, $0x7780  }
0xdf: {  	[tilespmem:s14+$0x30] =	vst v0  }
.Ltmp6:
0xe0: {  	[tilespmem:s14+$0x20] =	vst v0;
	(pc) =	sbr.rel @p1 .LBB2_8-.Ltmp6, $4  }
0xe1: {  	[tilespmem:s14+$0x10] =	vst v0  }
0xe2: {  	[tilespmem:s14+$0x0] =	vst v0  }
0xe3: {  	[tilespmem:s14+$0xFFFFFFF0] =	vst v0  }
0xe4: {  	[tilespmem:s14+$0xFFFFFFE0] =	vst v0  }
0xe5: {  	[tilespmem:s14+$0xFFFFFFD0] =	vst v0  }
0xe6: {  	_ =	swait.ge [sflag:s8], $0x4E00  }
0xe7: {  	[sflag:s8] =	ssyncset.done $0x0  }
0xe8: {  	[sflag:s8] =	ssyncadd.s32 $0xFFFFB200  }
0xe9: {  	_ =	swait.ge [sflag:s8], $0x7580  }
0xea: {  	[sflag:s8] =	ssyncset.done $0x0  }
0xeb: {  	s14 =	simm.s32 $0x80;
	[sflag:s8] =	ssyncadd.s32 $0xFFFF8A80  }
0xec: {  	v1 =	vld [tilespmem:s14+$0x10]  }
0xed: {  	v2 =	vld [tilespmem:s14+$0x20]  }
0xee: {  	v3 =	vld [tilespmem:s14+$0x30]  }
0xef: {  	v4 =	vld [tilespmem:s14+$0x40]  }
0xf0: {  	v5 =	vld [tilespmem:s14+$0x50]  }
0xf1: {  	v8 =	vld [tilespmem:s14+$0x60]  }
0xf2: {  	v29 =	vld [tilespmem:s14+$0x70]  }
0xf3: {  	v30 =	vld [tilespmem:s14+$0x0]  }
0xf4: {  	v9 =	vld [tilespmem:s14+$0xFFFFFF80]  }
0xf5: {  	v11 =	vld [tilespmem:s14+$0xFFFFFFF0]  }
0xf6: {  	v12 =	vld [tilespmem:s14+$0xFFFFFFE0]  }
0xf7: {  	v14 =	vld [tilespmem:s14+$0xFFFFFFD0]  }
0xf8: {  	v17 =	vld [tilespmem:s14+$0xFFFFFFC0]  }
0xf9: {  	v10 =	vld [tilespmem:s14+$0xFFFFFFB0]  }
0xfa: {  	v6 =	vld [tilespmem:s14+$0xFFFFFFA0]  }
0xfb: {  	v7 =	vld [tilespmem:s14+$0xFFFFFF90];
	v13 =	vadd.s32 $0x4E20, v9  }
0xfc: {  	v15 =	vadd.s32 $0x4E20, v11;
	v18 =	vld.idx.msk [tilespmem:v9+s7+$0x0], $0xffff  }
0xfd: {  	v19 =	vld.idx.msk [tilespmem:v11+s7+$0x0], $0xffff  }
0xfe: {  	v22 =	vadd.s32 $0x2710, v12;
	v21 =	vld.idx.msk [tilespmem:v12+s7+$0x0], $0xffff  }
0xff: {  	v26 =	vadd.s32 $0x4E20, v17;
	v16 =	vld.idx.msk [tilespmem:v14+s7+$0x0], $0xffff  }
0x100: {  	v9 =	vadd.s32 $0x2710, v9;
	v23 =	vld.idx.msk [tilespmem:v13+s7+$0x0], $0xffff  }
0x101: {  	v28 =	vadd.s32 $0x4E20, v12;
	v20 =	vld.idx.msk [tilespmem:v15+s7+$0x0], $0xffff  }
0x102: {  	v13 =	vld.idx.msk [tilespmem:v17+s7+$0x0], $0xffff  }
0x103: {  	v11 =	vadd.s32 $0x2710, v11;
	v25 =	vld.idx.msk [tilespmem:v22+s7+$0x0], $0xffff  }
0x104: {  	v12 =	vld.idx.msk [tilespmem:v26+s7+$0x0], $0xffff  }
0x105: {  	v31 =	vld.idx.msk [tilespmem:v9+s7+$0x0], $0xffff;
	v9 =	vadd.s32 $0x4E20, v14  }
0x106: {  	v32 =	vadd.s32 $0x2800, v30;
	v28 =	vld.idx.msk [tilespmem:v28+s7+$0x0], $0xffff  }
0x107: {  	[tilespmem:v30+s9+$0x0] =	vst.idx.add.f32.msk $0xffff, v18;
	v30 =	vadd.s32 $0x5000, v30  }
0x108: {  	v24 =	vadd.s32 $0x2710, v14;
	v27 =	vld.idx.msk [tilespmem:v11+s7+$0x0], $0xffff  }
0x109: {  	v15 =	vadd.s32 $0x5000, v29;
	v26 =	vadd.s32 $0x4E20, v7;
	v22 =	vadd.s32 $0x4E20, v6;
	[tilespmem:v29+s9+$0x0] =	vst.idx.add.f32.msk $0xffff, v19  }
0x10a: {  	v14 =	vadd.s32 $0x2710, v17;
	v19 =	vadd.s32 $0x4E20, v10;
	v29 =	vadd.s32 $0x2800, v29;
	v18 =	vld.idx.msk [tilespmem:v9+s7+$0x0], $0xffff  }
0x10b: {  	s15 =	simm.s32 $0x0;
	v17 =	vadd.s32 $0x2710, v6;
	v11 =	vadd.s32 $0x2710, v7;
	v9 =	vadd.s32 $0x2710, v10;
	[tilespmem:v32+s9+$0x0] =	vst.idx.add.f32.msk $0xffff, v31  }
.LBB2_10:
0x10c: {  	s15 =	sadd.s32 $0x80, s15;
	[tilespmem:v30+s9+$0x0] =	vst.idx.add.f32.msk $0xffff, v23;
	s14 =	sadd.s32 $0x100, s14  }
0x10d: {  	p1 =	slt.u32 s15, $0x2680;
	v23 =	vld.idx.msk [tilespmem:v24+s7+$0x0], $0xffff  }
0x10e: {  	[tilespmem:v8+s9+$0x0] =	vst.idx.add.f32.msk $0xffff, v21;
	v21 =	vadd.s32 $0x2800, v8  }
0x10f: {  	v8 =	vadd.s32 $0x5000, v8;
	[tilespmem:v29+s9+$0x0] =	vst.idx.add.f32.msk $0xffff, v27  }
0x110: {  	v24 =	vld.idx.msk [tilespmem:v26+s7+$0x0], $0xffff  }
0x111: {  	[tilespmem:v15+s9+$0x0] =	vst.idx.add.f32.msk $0xffff, v20  }
0x112: {  	v10 =	vld.idx.msk [tilespmem:v10+s7+$0x0], $0xffff  }
0x113: {  	[tilespmem:v21+s9+$0x0] =	vst.idx.add.f32.msk $0xffff, v25  }
0x114: {  	[tilespmem:v8+s9+$0x0] =	vst.idx.add.f32.msk $0xffff, v28  }
0x115: {  	v15 =	vadd.s32 $0x2800, v5;
	v8 =	vld.idx.msk [tilespmem:v19+s7+$0x0], $0xffff  }
0x116: {  	v19 =	vld.idx.msk [tilespmem:v22+s7+$0x0], $0xffff  }
0x117: {  	[tilespmem:v5+s9+$0x0] =	vst.idx.add.f32.msk $0xffff, v16;
	v5 =	vadd.s32 $0x5000, v5  }
0x118: {  	v14 =	vld.idx.msk [tilespmem:v14+s7+$0x0], $0xffff  }
0x119: {  	v16 =	vld.idx.msk [tilespmem:v17+s7+$0x0], $0xffff  }
0x11a: {  	[tilespmem:v15+s9+$0x0] =	vst.idx.add.f32.msk $0xffff, v23  }
0x11b: {  	v7 =	vld.idx.msk [tilespmem:v7+s7+$0x0], $0xffff  }
0x11c: {  	[tilespmem:v5+s9+$0x0] =	vst.idx.add.f32.msk $0xffff, v18  }
0x11d: {  	v5 =	vadd.s32 $0x2800, v4;
	[tilespmem:v4+s9+$0x0] =	vst.idx.add.f32.msk $0xffff, v13  }
0x11e: {  	v4 =	vadd.s32 $0x5000, v4;
	v6 =	vld.idx.msk [tilespmem:v6+s7+$0x0], $0xffff  }
0x11f: {  	v11 =	vld.idx.msk [tilespmem:v11+s7+$0x0], $0xffff  }
0x120: {  	v13 =	vadd.s32 $0x2800, v2;
	v9 =	vld.idx.msk [tilespmem:v9+s7+$0x0], $0xffff  }
0x121: {  	[tilespmem:v3+s9+$0x0] =	vst.idx.add.f32.msk $0xffff, v10;
	v10 =	vadd.s32 $0x2800, v3  }
0x122: {  	[tilespmem:v5+s9+$0x0] =	vst.idx.add.f32.msk $0xffff, v14  }
0x123: {  	v5 =	vadd.s32 $0x2800, v1;
	[tilespmem:v4+s9+$0x0] =	vst.idx.add.f32.msk $0xffff, v12  }
0x124: {  	v3 =	vadd.s32 $0x5000, v3;
	[tilespmem:v2+s9+$0x0] =	vst.idx.add.f32.msk $0xffff, v6  }
0x125: {  	v4 =	vadd.s32 $0x5000, v1;
	v2 =	vadd.s32 $0x5000, v2;
	[tilespmem:v13+s9+$0x0] =	vst.idx.add.f32.msk $0xffff, v16  }
0x126: {  	[tilespmem:v10+s9+$0x0] =	vst.idx.add.f32.msk $0xffff, v9  }
0x127: {  	[tilespmem:v1+s9+$0x0] =	vst.idx.add.f32.msk $0xffff, v7  }
0x128: {  	[tilespmem:v5+s9+$0x0] =	vst.idx.add.f32.msk $0xffff, v11  }
0x129: {  	[tilespmem:v3+s9+$0x0] =	vst.idx.add.f32.msk $0xffff, v8  }
0x12a: {  	[tilespmem:v4+s9+$0x0] =	vst.idx.add.f32.msk $0xffff, v24  }
0x12b: {  	[tilespmem:v2+s9+$0x0] =	vst.idx.add.f32.msk $0xffff, v19  }
0x12c: {  	v1 =	vld [tilespmem:s14+$0x10]  }
0x12d: {  	v2 =	vld [tilespmem:s14+$0x20]  }
0x12e: {  	v3 =	vld [tilespmem:s14+$0x30]  }
0x12f: {  	v4 =	vld [tilespmem:s14+$0x40]  }
0x130: {  	v5 =	vld [tilespmem:s14+$0x50]  }
0x131: {  	v8 =	vld [tilespmem:s14+$0x60]  }
0x132: {  	v29 =	vld [tilespmem:s14+$0x70]  }
0x133: {  	v12 =	vld [tilespmem:s14+$0x0]  }
0x134: {  	v9 =	vld [tilespmem:s14+$0xFFFFFF80]  }
0x135: {  	v11 =	vld [tilespmem:s14+$0xFFFFFFF0]  }
0x136: {  	v13 =	vld [tilespmem:s14+$0xFFFFFFE0]  }
0x137: {  	v16 =	vld [tilespmem:s14+$0xFFFFFFD0];
	v15 =	vadd.s32 $0x5000, v29  }
0x138: {  	v18 =	vld [tilespmem:s14+$0xFFFFFFC0]  }
0x139: {  	v25 =	vadd.s32 $0x2710, v9;
	v17 =	vadd.s32 $0x4E20, v9;
	v10 =	vld [tilespmem:s14+$0xFFFFFFB0]  }
0x13a: {  	v6 =	vld [tilespmem:s14+$0xFFFFFFA0];
	v27 =	vadd.s32 $0x2710, v11;
	v20 =	vadd.s32 $0x4E20, v11  }
0x13b: {  	v7 =	vld [tilespmem:s14+$0xFFFFFF90];
	v28 =	vadd.s32 $0x2710, v13;
	v31 =	vadd.s32 $0x4E20, v13  }
0x13c: {  	v30 =	vld.idx.msk [tilespmem:v9+s7+$0x0], $0xffff;
	v24 =	vadd.s32 $0x2710, v16;
	v32 =	vadd.s32 $0x4E20, v16  }
0x13d: {  	v14 =	vadd.s32 $0x2710, v18;
	v33 =	vadd.s32 $0x4E20, v18;
	v34 =	vld.idx.msk [tilespmem:v11+s7+$0x0], $0xffff  }
0x13e: {  	v23 =	vld.idx.msk [tilespmem:v17+s7+$0x0], $0xffff;
	v9 =	vadd.s32 $0x2710, v10;
	v19 =	vadd.s32 $0x4E20, v10  }
0x13f: {  	v17 =	vadd.s32 $0x2710, v6;
	v21 =	vld.idx.msk [tilespmem:v13+s7+$0x0], $0xffff  }
0x140: {  	v22 =	vadd.s32 $0x4E20, v6;
	v11 =	vadd.s32 $0x2710, v7;
	v26 =	vadd.s32 $0x4E20, v7;
	v16 =	vld.idx.msk [tilespmem:v16+s7+$0x0], $0xffff  }
0x141: {  	v20 =	vld.idx.msk [tilespmem:v20+s7+$0x0], $0xffff  }
0x142: {  	v35 =	vld.idx.msk [tilespmem:v25+s7+$0x0], $0xffff  }
0x143: {  	[tilespmem:v12+s9+$0x0] =	vst.idx.add.f32.msk $0xffff, v30  }
0x144: {  	v13 =	vld.idx.msk [tilespmem:v18+s7+$0x0], $0xffff  }
0x145: {  	v25 =	vld.idx.msk [tilespmem:v28+s7+$0x0], $0xffff  }
0x146: {  	v36 =	vadd.s32 $0x2800, v12;
	v27 =	vld.idx.msk [tilespmem:v27+s7+$0x0], $0xffff  }
.Ltmp7:
0x147: {  	v30 =	vadd.s32 $0x5000, v12;
	[tilespmem:v29+s9+$0x0] =	vst.idx.add.f32.msk $0xffff, v34;
	(pc) =	sbr.rel @p1 .LBB2_10-.Ltmp7, $4  }
0x148: {  	v18 =	vld.idx.msk [tilespmem:v32+s7+$0x0], $0xffff  }
0x149: {  	v12 =	vld.idx.msk [tilespmem:v33+s7+$0x0], $0xffff  }
0x14a: {  	v29 =	vadd.s32 $0x2800, v29;
	v28 =	vld.idx.msk [tilespmem:v31+s7+$0x0], $0xffff  }
0x14b: {  	[tilespmem:v36+s9+$0x0] =	vst.idx.add.f32.msk $0xffff, v35  }
.Ltmp8:
0x14c: {  	_ = 	snop;
	(pc) =	sbr.rel .LBB2_11-.Ltmp8, $1  }
0x14d: {  	_ =	sdelay $0x3  }
.LBB2_13:
0x14e: {  	_ =	sfence.sel $0x180000  }
0x14f: {  	[bflag:$0x0] =	sbarrier.arrive $0xFFFF  }
0x150: {  	p0 =	sne.s32 s0, $0x0;
	_ =	strace $0x9000004A  }
0x151: {  	s0 =	sadd.s32 @!p0 $0x100000, s1;
	[bflag:$0x2] =	sbarrier.arrive $0xFFFF  }
0x152: {  	[sflag:s0] =	ssyncadd.tile.s32 @!p0 $0x1;
	_ =	shalt  }
.Lfunc_end2:
_tile_overlayer_lowered:
.L_overlay_start_2:
0x153: {  	(tag) =	ssettag $0x2  }
0x154: {  	s0 =	rddreg [dreg:$0x0];
	s2 =	stileid.u32  }
0x155: {  	s1 =	rddreg [dreg:$0x1];
	p0 =	sne.s32 s2, $0x0  }
0x156: {  	s3 =	rddreg [dreg:$0x2];
	[bflag:$0x3] =	sbarrier.arrive $0xFFFF;
	s2 =	simm.s32 @!p0 $0x1C02  }
0x157: {  	[timem:s3], [sflag:s2] =	dma.local @!p0 [hbm:s0], s1  }
0x158: {  	s0 =	simm.s32 @!p0 $0x2  }
0x159: {  	_ =	swait.ge @!p0 [sflag:s0], s1  }
0x15a: {  	s1 =	ssub.s32 @!p0 $0x0, s1;
	[sflag:s0] =	ssyncset.done @!p0 $0x0  }
0x15b: {  	[sflag:s0] =	ssyncadd.s32 @!p0 s1  }
0x15c: {  	[bflag:$0x3] =	sbarrier.arrive $0xFFFF  }
0x15d: {  	_ =	shalt  }

// kernel: kernel.7.cloned.1.call-start
scs
__scs_entry_jumppad:
0x0: {  	(pc) =	sbr.rel $0x88, $3  }
0x1: {  	(tag) =	ssettag $0x0;
	lr =	simm.s32 $0x1  }
0x2: {  	[smem:$0x3F9B] =	sst lr;
	_ =	strace $0xD0000000  }
0x3: {  	_ = 	snop  }
0x4: {  	_ = 	snop  }
0x5: {  	_ = 	snop  }
0x6: {  	_ = 	snop  }
0x7: {  	_ = 	snop  }
__scs_overlays_trampoline_lowered:
0x8: {  	[smem:$0x3FAA] =	sst s0  }
0x9: {  	[smem:$0x3FAB] =	sst s1  }
0xa: {  	[smem:$0x3FAC] =	sst s2  }
0xb: {  	[smem:$0x3FAD] =	sst s3  }
0xc: {  	[smem:$0x3FAE] =	sst s4  }
0xd: {  	[smem:$0x3FAF] =	sst s5  }
0xe: {  	[smem:$0x3FB0] =	sst s6  }
0xf: {  	[smem:$0x3FB1] =	sst s7  }
0x10: {  	[smem:$0x3FB2] =	sst s8  }
0x11: {  	[smem:$0x3FB3] =	sst s9;
	s0 =	simm.s32 @!p0 $0x0  }
0x12: {  	s1 =	sld [smem:$0x3F99];
	s0 =	simm.s32 @p0 $0x1  }
0x13: {  	[smem:$0x3FB4] =	sst s0;
	s0 =	simm.s32 @!p1 $0x0  }
0x14: {  	s2 =	sld [smem:$0x3F98];
	s0 =	simm.s32 @p1 $0x1  }
0x15: {  	[smem:$0x3FB5] =	sst s0;
	s0 =	simm.s32 @!p2 $0x0  }
0x16: {  	s3 =	sld [smem:$0x3FDB];
	s0 =	simm.s32 @p2 $0x1  }
0x17: {  	s4 =	simm.s32 $0x1BF5;
	[smem:$0x3FB7] =	sst s0  }
0x18: {  	s0 =	sld [smem:$0x3F9A];
	_ =	swait.ge [sflag:s4], $0x0  }
0x19: {  	s7 =	sld [smem:$0x3F9B]  }
0x1a: {  	s8 =	sadd.s32 $0xFFFFE003, lr  }
0x1b: {  	s9 =	sadd.s32 $0xFFFFFEF7, lr;
	s5 =	simm.s32 $0xFFFFFFFF;
	p2 =	slt.u32 s8, $0xFFFFF086  }
0x1c: {  	p1 =	slt.u32 s9, $0xF7A;
	s5 =	simm.s32 @!p2 $0x0  }
0x1d: {  	s5 =	simm.s32 @p1 $0x1;
	p0 =	seq.s32 s7, s2  }
0x1e: {  	s7 =	smul.u32 @!p0 $0xF7A, s2;
	p2 =	seq.s32 @!p0 s5, $0x0  }
0x1f: {  	s9 =	smul.u32 $0xF7A, s1;
	s8 =	simm.s32 @!p0 $0x1BF5;
	p2 =	por !p2, p0  }
0x20: {  	[sflag:s8] =	ssyncset.s32 @!p0 $0xFFFFF086;
	s6 =	sadd.s32 @!p0 s3, s7;
	s7 =	simm.s32 @!p0 $0x108  }
0x21: {  	s3 =	sadd.s32 s3, s9;
	s6 =	sadd.s32 @!p0 $0x88, s6;
	s7 =	simm.s32 @p2 $0x1082  }
0x22: {  	[simem:s7], [sflag:s8] =	dma.local @!p0 [hbm:s6], $0xF7A  }
0x23: {  	s9 =	sor.u32 $0xD0000000, s2;
	s6 =	simm.s32 $0x108;
	_ =	swait.ge @!p0 [sflag:s8], $0x0  }
0x24: {  	s3 =	sadd.s32 $0x88, s3;
	s6 =	simm.s32 @!p1 $0x1082;
	[sflag:s4] =	ssyncset.s32 $0xFFFFF086  }
0x25: {  	[simem:s6], [sflag:s4] =	dma.local [hbm:s3], $0xF7A  }
0x26: {  	[smem:$0x3F9B] =	sst s1;
	(tag) =	ssettag s2;
	_ =	strace s9  }
0x27: {  	s1 =	sld [smem:$0x3FAB]  }
0x28: {  	s2 =	sld [smem:$0x3FAC]  }
0x29: {  	s4 =	sld [smem:$0x3FAE]  }
0x2a: {  	p0 =	seq.s32 s5, $0x0;
	s5 =	sld [smem:$0x3FAF]  }
0x2b: {  	s6 =	sld [smem:$0x3FB0]  }
0x2c: {  	s7 =	sld [smem:$0x3FB1]  }
0x2d: {  	s3 =	simm.s32 $0x108;
	s8 =	sld [smem:$0x3FB2]  }
0x2e: {  	s3 =	simm.s32 @!p0 $0x1082;
	s9 =	sld [smem:$0x3FB3]  }
0x2f: {  	lr =	sadd.s32 s0, s3;
	s0 =	sld [smem:$0x3FAA]  }
0x30: {  	s3 =	sld [smem:$0x3FAD]  }
0x31: {  	[smem:$0x3FB6] =	sst s10  }
0x32: {  	s10 =	sld [smem:$0x3FB4];
	_ =	sdelay $0x3  }
0x33: {  	p0 =	seq.s32 s10, $0x1;
	s10 =	sld [smem:$0x3FB6];
	_ =	sdelay $0x3  }
0x34: {  	[smem:$0x3FB6] =	sst s10  }
0x35: {  	s10 =	sld [smem:$0x3FB5];
	_ =	sdelay $0x3  }
0x36: {  	p1 =	seq.s32 s10, $0x1;
	s10 =	sld [smem:$0x3FB6];
	_ =	sdelay $0x3  }
0x37: {  	[smem:$0x3FB6] =	sst s10  }
0x38: {  	s10 =	sld [smem:$0x3FB7]  }
0x39: {  	_ = 	snop;
	(pc) =	sbr.ind lr, $3  }
0x3a: {  	_ = 	snop  }
0x3b: {  	_ = 	snop  }
0x3c: {  	p2 =	seq.s32 s10, $0x1;
	s10 =	sld [smem:$0x3FB6]  }
0x3d: {  	_ =	shalt  }
0x3e: {  	_ =	shalt  }
0x3f: {  	_ =	shalt  }
0x40: {  	_ =	shalt  }
0x41: {  	_ =	shalt  }
0x42: {  	_ =	shalt  }
0x43: {  	_ =	shalt  }
0x44: {  	_ =	shalt  }
0x45: {  	_ =	shalt  }
0x46: {  	_ =	shalt  }
0x47: {  	_ =	shalt  }
0x48: {  	_ =	shalt  }
0x49: {  	_ =	shalt  }
0x4a: {  	_ =	shalt  }
0x4b: {  	_ =	shalt  }
0x4c: {  	_ =	shalt  }
0x4d: {  	_ =	shalt  }
0x4e: {  	_ =	shalt  }
0x4f: {  	_ =	shalt  }
0x50: {  	_ =	shalt  }
0x51: {  	_ =	shalt  }
0x52: {  	_ =	shalt  }
0x53: {  	_ =	shalt  }
0x54: {  	_ =	shalt  }
0x55: {  	_ =	shalt  }
0x56: {  	_ =	shalt  }
0x57: {  	_ =	shalt  }
0x58: {  	_ =	shalt  }
0x59: {  	_ =	shalt  }
0x5a: {  	_ =	shalt  }
0x5b: {  	_ =	shalt  }
0x5c: {  	_ =	shalt  }
0x5d: {  	_ =	shalt  }
0x5e: {  	_ =	shalt  }
0x5f: {  	_ =	shalt  }
0x60: {  	_ =	shalt  }
0x61: {  	_ =	shalt  }
0x62: {  	_ =	shalt  }
0x63: {  	_ =	shalt  }
0x64: {  	_ =	shalt  }
0x65: {  	_ =	shalt  }
0x66: {  	_ =	shalt  }
0x67: {  	_ =	shalt  }
0x68: {  	_ =	shalt  }
0x69: {  	_ =	shalt  }
0x6a: {  	_ =	shalt  }
0x6b: {  	_ =	shalt  }
0x6c: {  	_ =	shalt  }
0x6d: {  	_ =	shalt  }
0x6e: {  	_ =	shalt  }
0x6f: {  	_ =	shalt  }
0x70: {  	_ =	shalt  }
0x71: {  	_ =	shalt  }
0x72: {  	_ =	shalt  }
0x73: {  	_ =	shalt  }
0x74: {  	_ =	shalt  }
0x75: {  	_ =	shalt  }
0x76: {  	_ =	shalt  }
0x77: {  	_ =	shalt  }
0x78: {  	_ =	shalt  }
0x79: {  	_ =	shalt  }
0x7a: {  	_ =	shalt  }
0x7b: {  	_ =	shalt  }
0x7c: {  	_ =	shalt  }
0x7d: {  	_ =	shalt  }
0x7e: {  	_ =	shalt  }
0x7f: {  	_ =	shalt  }
0x80: {  	_ =	shalt  }
0x81: {  	_ =	shalt  }
0x82: {  	_ =	shalt  }
0x83: {  	_ =	shalt  }
0x84: {  	_ =	shalt  }
0x85: {  	_ =	shalt  }
0x86: {  	_ =	shalt  }
0x87: {  	_ =	shalt  }
.Lfunc_end0:
.L_simem_size_0:
called_computation_lowered:
.L_overlay_start_0:
0x88: {  	s2 =	sld [smem:$0x3FD9]  }
0x89: {  	s3 =	sld [smem:$0x3FFE];
	_ =	sdelay $0x1  }
0x8a: {  	s1 =	srdreg.scid  }
0x8b: {  	s0 =	sand.u32 $0x1, s1  }
0x8c: {  	s17 =	sshll.u32 s0, $0xA;
	s2 =	sadd.s32 s3, s2  }
0x8d: {  	s2 =	sadd.s32 s2, s17  }
0x8e: {  	[smem:$0x3FC2] =	sst s2  }
0x8f: {  	_ = 	snop  }
0x90: {  	s2 =	sld [smem:$0x3FC8];
	(tm) =	ssettm $0x1  }
0x91: {  	s18 =	sld [smem:$0x3FFB];
	_ =	sdelay $0x3  }
0x92: {  	_ =	strace s18  }
0x93: {  	s3 =	sld [smem:$0x3FFC];
	_ =	sdelay $0x3  }
0x94: {  	_ =	strace s3  }
0x95: {  	s3 =	sld [smem:$0x3FFD];
	_ =	sdelay $0x3  }
0x96: {  	_ =	strace s3  }
0x97: {  	_ =	strace $0x8FFFFFFF  }
0x98: {  	s19 =	sld [smem:$0x3FDB];
	_ =	sdelay $0x1  }
0x99: {  	s4 =	simm.s32 $_scs_section_size  }
0x9a: {  	s5 =	simm.s32 $_size__tile_overlayer_lowered;
	s6 =	simm.s32 $_tile_overlayer_lowered  }
0x9b: {  	s22 =	simm.s32 $0x1BFF;
	s21 =	sshll.u32 s6, $0x1;
	s3 =	sadd.s32 s4, s19  }
0x9c: {  	s7 =	simm.s32 $0x0;
	s20 =	sshll.u32 s5, $0x1;
	s5 =	sadd.s32 s21, s3  }
0x9d: {  	[timem:s7], [sflag:s22] =	dma.local [hbm:s5], s20  }
0x9e: {  	_ =	swait.ge [sflag:s22], s20  }
0x9f: {  	s4 =	ssub.s32 $0x0, s20;
	[sflag:s22] =	ssyncset.done $0x0  }
0xa0: {  	[sflag:s22] =	ssyncadd.s32 s4;
	_ =	sdelay $0x1  }
0xa1: {  	s23 =	simm.s32 $0x1B8B  }
0xa2: {  	_ =	swait.ge [sflag:s23], $0x1  }
0xa3: {  	[sflag:s23] =	ssyncset.done $0x0  }
0xa4: {  	s25 =	simm.s32 $0x1B8E;
	s24 =	sld [smem:$0x3FFE];
	[sflag:s23] =	ssyncadd.s32 $0xFFFFFFFF  }
0xa5: {  	s26 =	simm.s32 $execute0_lowered;
	[smem:$0x3FD2] =	sst s25  }
0xa6: {  	s5 =	sshll.u32 s26, $0x1;
	_ =	strace $0x80000046;
	[dreg:$0x1] =	wrdreg $0xFFFFFFFF  }
0xa7: {  	s28 =	simm.s32 $_size_execute0_lowered;
	s3 =	sadd.s32 s3, s5;
	[dreg:$0x0] =	wrdreg $0x0  }
0xa8: {  	s5 =	sshll.u32 s28, $0x1;
	[dreg:$0x2] =	wrdreg s3  }
0xa9: {  	[dreg:$0x3] =	wrdreg s5  }
0xaa: {  	[dreg:$0x4] =	wrdreg $0xC0  }
0xab: {  	_ =	task [dreg:s7], $0x5FFFF  }
0xac: {  	[dreg:$0x1] =	wrdreg $0xFFFFFFFF  }
0xad: {  	[dreg:$0x0] =	wrdreg $0x60  }
0xae: {  	[dreg:$0x2] =	wrdreg s2  }
0xaf: {  	[dreg:$0x3] =	wrdreg s24  }
0xb0: {  	[dreg:$0x4] =	wrdreg $0x9  }
0xb1: {  	_ =	task.clear_ibuf [dreg:s7], $0x5FFFF;
	_ =	strace $0x90000046  }
0xb2: {  	s29 =	simm.s32 $0x9;
	_ =	strace $0x80000048  }
0xb3: {  	_ =	swait.ge [sflag:s29], $0x1  }
0xb4: {  	[sflag:s29] =	ssyncadd.s32 $0xFFFFFFFF  }
0xb5: {  	_ =	strace $0x90000048  }
0xb6: {  	_ =	sfence  }
0xb7: {  	s30 =	sld [smem:$0x0];
	_ =	sdelay $0x2  }
0xb8: {  	s31 =	sshll.u32 s1, $0xD;
	s1 =	sshrl.u32 s1, $0x2  }
0xb9: {  	s3 =	sand.u32 $0x4000, s31;
	s1 =	sadd.s32 s1, s30  }
0xba: {  	s0 =	sor.u32 s3, s0;
	s1 =	sshll.u32 s1, $0x11  }
0xbb: {  	s0 =	sor.u32 s1, s0  }
0xbc: {  	s0 =	sadd.s32 $0x8F2B, s0  }
0xbd: {  	[sflag:s0] =	ssyncadd.remote.s32 $0x1  }
0xbe: {  	_ =	sfence.sel $0xFFFF  }
0xbf: {  	[dreg:$0x0] =	wrdreg $0xFFFFFFFF;
	(pc) =	sbr.abs _section_cstart, $3  }
0xc0: {  	[dreg:$0x1] =	wrdreg $0xFFFFFFFF  }
0xc1: {  	_ =	task.clear_ibuf [dreg:s7], $0x2FFFF;
	_ =	strace $0x9FFFFFFF  }
0xc2: {  	(tm) =	ssettm $0x7FFFFFFF  }
0xc3: {  	_ =	shalt  }
tec
execute0_lowered:
.L_overlay_start_1:
0x0: {  	(tag) =	ssettag $0x1  }
0x1: {  	s4 =	rddreg [dreg:$0x0]  }
0x2: {  	s0 =	srdreg.scid;
	s5 =	rddreg [dreg:$0x1];
	s2 =	simm.s32 $0x0  }
0x3: {  	s11 =	simm.s32 $0x0;
	s3 =	sand.u32 $0x1, s0;
	s0 =	stileid.u32  }
0x4: {  	[smem:$0x7FF] =	sst s2;
	s1 =	sshll.u32 s3, $0x4;
	s8 =	sshll.u32 s0, $0x7  }
0x5: {  	s3 =	ssub.s32 $0x2, s3;
	s6 =	sor.u32 s0, s1;
	s1 =	rddreg [dreg:$0x2]  }
0x6: {  	_ =	strace $0x80000047;
	s8 =	sand.u32 $0x380, s8;
	s30 =	sshrl.u32 s3, $0x1  }
0x7: {  	s7 =	sshrl.u32 s6, $0x3;
	s9 =	smul.u32 $0x2700, s6;
	s10 =	smin.u32 s6, $0x4  }
0x8: {  	s31 =	ssub.s32 s3, s30;
	p0 =	sgt.u32 s6, $0x3;
	s7 =	smul.u32 $0x14000, s7  }
.Ltmp0:
0x9: {  	s6 =	simm.s32 $0x1;
	s10 =	sshll.u32 s10, $0x7;
	(pc) =	sbr.rel .LBB2_1-.Ltmp0, $4  }
0xa: {  	s29 =	sadd.s32 s9, s10;
	s9 =	simm.s32 $0x400;
	s7 =	sor.u32 s8, s7  }
0xb: {  	s10 =	simm.s32 $0x2;
	s8 =	sshrl.u32 s29, $0x2;
	s7 =	sshrl.u32 s7, $0x3  }
0xc: {  	s3 =	sadd.s32 s4, s8;
	s8 =	simm.s32 $0x80;
	s5 =	sadd.s32 s7, s5  }
0xd: {  	v0 =	vimm.f32 $0.0e+00;
	v1 =	vimm.f32 $1.000000000e+00;
	s7 =	simm.s32 $0x4F00;
	s4 =	sadd.s32 $0x1C00, s5;
	s5 =	smax.u32 s31, $0x1  }
.LBB2_11:
0xe: {  	_ =	sdelay $0x3  }
0xf: {  	[tilespmem:v2+s7+$0x0] =	vst.idx.add.f32.msk $0xffff, v1  }
.LBB2_12:
0x10: {  	s11 =	sadd.s32 $0x1, s11  }
0x11: {  	p1 =	sne.s32 s11, s5  }
.Ltmp1:
0x12: {  	_ = 	snop;
	(pc) =	sbr.rel @!p1 .LBB2_13-.Ltmp1, $4  }
0x13: {  	[hbm4b:s4+s8] =	stream.strided.scatter [tilespmem:s7], [sflag:$0x2], $0x2800, s9, s8, $0x38;
	[tilespmem:$0x7700] =	vst v63  }
0x14: {  	_ =	swait.ge [sflag:s10], $0x2800  }
0x15: {  	[sflag:s10] =	ssyncset.done $0x0  }
0x16: {  	[sflag:s10] =	ssyncadd.s32 $0xFFFFD800  }
.LBB2_1:
.Ltmp2:
0x17: {  	(pc) =	sbr.rel @p0 .LBB2_7-.Ltmp2, $1  }
0x18: {  	_ =	sdelay $0x3  }
0x19: {  	[tilespmem:s2], [sflag:$0x1] =	stream.linear.gather [hbm4b:s3+s2], $0x4F00, $0x38;
	[tilespmem:$0x7700] =	vst v63  }
0x1a: {  	s12 =	simm.s32 $0x4F40  }
0x1b: {  	[tilespmem:s12+$0xFFFFFFC0] =	vst v0  }
0x1c: {  	[tilespmem:s12+$0x30] =	vst v0  }
0x1d: {  	[tilespmem:s12+$0x20] =	vst v0  }
0x1e: {  	[tilespmem:s12+$0x10] =	vst v0  }
0x1f: {  	[tilespmem:s12+$0x0] =	vst v0  }
0x20: {  	[tilespmem:s12+$0xFFFFFFF0] =	vst v0  }
0x21: {  	s13 =	simm.s32 $0x0;
	[tilespmem:s12+$0xFFFFFFE0] =	vst v0  }
.LBB2_3:
0x22: {  	s13 =	sadd.s32 $0x80, s13;
	[tilespmem:s12+$0xFFFFFFD0] =	vst v0;
	s12 =	sadd.s32 $0x80, s12  }
0x23: {  	[tilespmem:s12+$0xFFFFFFC0] =	vst v0;
	p1 =	slt.u32 s13, $0x2780  }
0x24: {  	[tilespmem:s12+$0x30] =	vst v0  }
.Ltmp3:
0x25: {  	[tilespmem:s12+$0x20] =	vst v0;
	(pc) =	sbr.rel @p1 .LBB2_3-.Ltmp3, $4  }
0x26: {  	[tilespmem:s12+$0x10] =	vst v0  }
0x27: {  	[tilespmem:s12+$0x0] =	vst v0  }
0x28: {  	[tilespmem:s12+$0xFFFFFFF0] =	vst v0  }
0x29: {  	[tilespmem:s12+$0xFFFFFFE0] =	vst v0  }
0x2a: {  	[tilespmem:s12+$0xFFFFFFD0] =	vst v0  }
0x2b: {  	_ =	swait.ge [sflag:s6], $0x4F00  }
0x2c: {  	[sflag:s6] =	ssyncset.done $0x0  }
0x2d: {  	s12 =	simm.s32 $0xF0;
	[sflag:s6] =	ssyncadd.s32 $0xFFFFB100  }
0x2e: {  	v3 =	vld [tilespmem:s12+$0xFFFFFF90]  }
0x2f: {  	v4 =	vld [tilespmem:s12+$0x0]  }
0x30: {  	v5 =	vld [tilespmem:s12+$0xFFFFFFF0]  }
0x31: {  	v6 =	vld [tilespmem:s12+$0xFFFFFFE0]  }
0x32: {  	v7 =	vld [tilespmem:s12+$0xFFFFFFD0]  }
0x33: {  	v8 =	vld [tilespmem:s12+$0xFFFFFFC0]  }
0x34: {  	v9 =	vld [tilespmem:s12+$0xFFFFFFB0]  }
0x35: {  	v2 =	vld [tilespmem:s12+$0xFFFFFFA0]  }
0x36: {  	[tilespmem:v3+s7+$0x0] =	vst.idx.add.f32.msk $0xffff, v1  }
0x37: {  	[tilespmem:v4+s7+$0x0] =	vst.idx.add.f32.msk $0xffff, v1  }
0x38: {  	[tilespmem:v5+s7+$0x0] =	vst.idx.add.f32.msk $0xffff, v1  }
0x39: {  	[tilespmem:v6+s7+$0x0] =	vst.idx.add.f32.msk $0xffff, v1  }
0x3a: {  	[tilespmem:v7+s7+$0x0] =	vst.idx.add.f32.msk $0xffff, v1  }
0x3b: {  	[tilespmem:v8+s7+$0x0] =	vst.idx.add.f32.msk $0xffff, v1  }
0x3c: {  	s13 =	simm.s32 $0x0;
	[tilespmem:v9+s7+$0x0] =	vst.idx.add.f32.msk $0xffff, v1  }
.LBB2_5:
0x3d: {  	s13 =	sadd.s32 $0x80, s13;
	[tilespmem:v2+s7+$0x0] =	vst.idx.add.f32.msk $0xffff, v1;
	s12 =	sadd.s32 $0x100, s12  }
0x3e: {  	v3 =	vld [tilespmem:s12+$0xFFFFFF90];
	p1 =	slt.u32 s13, $0x2700  }
0x3f: {  	v4 =	vld [tilespmem:s12+$0x0]  }
0x40: {  	v5 =	vld [tilespmem:s12+$0xFFFFFFF0]  }
0x41: {  	v6 =	vld [tilespmem:s12+$0xFFFFFFE0]  }
0x42: {  	v7 =	vld [tilespmem:s12+$0xFFFFFFD0]  }
0x43: {  	v8 =	vld [tilespmem:s12+$0xFFFFFFC0]  }
0x44: {  	v9 =	vld [tilespmem:s12+$0xFFFFFFB0]  }
0x45: {  	v2 =	vld [tilespmem:s12+$0xFFFFFFA0]  }
0x46: {  	[tilespmem:v3+s7+$0x0] =	vst.idx.add.f32.msk $0xffff, v1  }
0x47: {  	[tilespmem:v4+s7+$0x0] =	vst.idx.add.f32.msk $0xffff, v1  }
.Ltmp4:
0x48: {  	[tilespmem:v5+s7+$0x0] =	vst.idx.add.f32.msk $0xffff, v1;
	(pc) =	sbr.rel @p1 .LBB2_5-.Ltmp4, $4  }
0x49: {  	[tilespmem:v6+s7+$0x0] =	vst.idx.add.f32.msk $0xffff, v1  }
0x4a: {  	[tilespmem:v7+s7+$0x0] =	vst.idx.add.f32.msk $0xffff, v1  }
0x4b: {  	[tilespmem:v8+s7+$0x0] =	vst.idx.add.f32.msk $0xffff, v1  }
0x4c: {  	[tilespmem:v9+s7+$0x0] =	vst.idx.add.f32.msk $0xffff, v1  }
.Ltmp5:
0x4d: {  	_ = 	snop;
	(pc) =	sbr.rel .LBB2_12-.Ltmp5, $2  }
0x4e: {  	_ =	sdelay $0x2  }
0x4f: {  	[tilespmem:v2+s7+$0x0] =	vst.idx.add.f32.msk $0xffff, v1  }
.LBB2_7:
0x50: {  	[tilespmem:s2], [sflag:$0x1] =	stream.linear.gather [hbm4b:s3+s2], $0x4E00, $0x38;
	[tilespmem:$0x7700] =	vst v63  }
0x51: {  	s12 =	simm.s32 $0x4F40  }
0x52: {  	[tilespmem:s12+$0xFFFFFFC0] =	vst v0  }
0x53: {  	[tilespmem:s12+$0x30] =	vst v0  }
0x54: {  	[tilespmem:s12+$0x20] =	vst v0  }
0x55: {  	[tilespmem:s12+$0x10] =	vst v0  }
0x56: {  	[tilespmem:s12+$0x0] =	vst v0  }
0x57: {  	[tilespmem:s12+$0xFFFFFFF0] =	vst v0  }
0x58: {  	s13 =	simm.s32 $0x0;
	[tilespmem:s12+$0xFFFFFFE0] =	vst v0  }
.LBB2_8:
0x59: {  	s13 =	sadd.s32 $0x80, s13;
	[tilespmem:s12+$0xFFFFFFD0] =	vst v0;
	s12 =	sadd.s32 $0x80, s12  }
0x5a: {  	[tilespmem:s12+$0xFFFFFFC0] =	vst v0;
	p1 =	slt.u32 s13, $0x2780  }
0x5b: {  	[tilespmem:s12+$0x30] =	vst v0  }
.Ltmp6:
0x5c: {  	[tilespmem:s12+$0x20] =	vst v0;
	(pc) =	sbr.rel @p1 .LBB2_8-.Ltmp6, $4  }
0x5d: {  	[tilespmem:s12+$0x10] =	vst v0  }
0x5e: {  	[tilespmem:s12+$0x0] =	vst v0  }
0x5f: {  	[tilespmem:s12+$0xFFFFFFF0] =	vst v0  }
0x60: {  	[tilespmem:s12+$0xFFFFFFE0] =	vst v0  }
0x61: {  	[tilespmem:s12+$0xFFFFFFD0] =	vst v0  }
0x62: {  	_ =	swait.ge [sflag:s6], $0x4E00  }
0x63: {  	[sflag:s6] =	ssyncset.done $0x0  }
0x64: {  	s12 =	simm.s32 $0xF0;
	[sflag:s6] =	ssyncadd.s32 $0xFFFFB200  }
0x65: {  	v3 =	vld [tilespmem:s12+$0xFFFFFF90]  }
0x66: {  	v4 =	vld [tilespmem:s12+$0x0]  }
0x67: {  	v5 =	vld [tilespmem:s12+$0xFFFFFFF0]  }
0x68: {  	v6 =	vld [tilespmem:s12+$0xFFFFFFE0]  }
0x69: {  	v7 =	vld [tilespmem:s12+$0xFFFFFFD0]  }
0x6a: {  	v8 =	vld [tilespmem:s12+$0xFFFFFFC0]  }
0x6b: {  	v9 =	vld [tilespmem:s12+$0xFFFFFFB0]  }
0x6c: {  	v2 =	vld [tilespmem:s12+$0xFFFFFFA0]  }
0x6d: {  	[tilespmem:v3+s7+$0x0] =	vst.idx.add.f32.msk $0xffff, v1  }
0x6e: {  	[tilespmem:v4+s7+$0x0] =	vst.idx.add.f32.msk $0xffff, v1  }
0x6f: {  	[tilespmem:v5+s7+$0x0] =	vst.idx.add.f32.msk $0xffff, v1  }
0x70: {  	[tilespmem:v6+s7+$0x0] =	vst.idx.add.f32.msk $0xffff, v1  }
0x71: {  	[tilespmem:v7+s7+$0x0] =	vst.idx.add.f32.msk $0xffff, v1  }
0x72: {  	[tilespmem:v8+s7+$0x0] =	vst.idx.add.f32.msk $0xffff, v1  }
0x73: {  	s13 =	simm.s32 $0x0;
	[tilespmem:v9+s7+$0x0] =	vst.idx.add.f32.msk $0xffff, v1  }
.LBB2_10:
0x74: {  	s13 =	sadd.s32 $0x80, s13;
	[tilespmem:v2+s7+$0x0] =	vst.idx.add.f32.msk $0xffff, v1;
	s12 =	sadd.s32 $0x100, s12  }
0x75: {  	v3 =	vld [tilespmem:s12+$0xFFFFFF90];
	p1 =	slt.u32 s13, $0x2680  }
0x76: {  	v4 =	vld [tilespmem:s12+$0x0]  }
0x77: {  	v5 =	vld [tilespmem:s12+$0xFFFFFFF0]  }
0x78: {  	v6 =	vld [tilespmem:s12+$0xFFFFFFE0]  }
0x79: {  	v7 =	vld [tilespmem:s12+$0xFFFFFFD0]  }
0x7a: {  	v8 =	vld [tilespmem:s12+$0xFFFFFFC0]  }
0x7b: {  	v9 =	vld [tilespmem:s12+$0xFFFFFFB0]  }
0x7c: {  	v2 =	vld [tilespmem:s12+$0xFFFFFFA0]  }
0x7d: {  	[tilespmem:v3+s7+$0x0] =	vst.idx.add.f32.msk $0xffff, v1  }
0x7e: {  	[tilespmem:v4+s7+$0x0] =	vst.idx.add.f32.msk $0xffff, v1  }
.Ltmp7:
0x7f: {  	[tilespmem:v5+s7+$0x0] =	vst.idx.add.f32.msk $0xffff, v1;
	(pc) =	sbr.rel @p1 .LBB2_10-.Ltmp7, $4  }
0x80: {  	[tilespmem:v6+s7+$0x0] =	vst.idx.add.f32.msk $0xffff, v1  }
0x81: {  	[tilespmem:v7+s7+$0x0] =	vst.idx.add.f32.msk $0xffff, v1  }
0x82: {  	[tilespmem:v8+s7+$0x0] =	vst.idx.add.f32.msk $0xffff, v1  }
0x83: {  	[tilespmem:v9+s7+$0x0] =	vst.idx.add.f32.msk $0xffff, v1  }
.Ltmp8:
0x84: {  	_ = 	snop;
	(pc) =	sbr.rel .LBB2_11-.Ltmp8, $1  }
0x85: {  	_ =	sdelay $0x3  }
.LBB2_13:
0x86: {  	_ =	sfence.sel $0x180000  }
0x87: {  	[bflag:$0x0] =	sbarrier.arrive $0xFFFF  }
0x88: {  	p0 =	sne.s32 s0, $0x0;
	_ =	strace $0x90000047  }
0x89: {  	s0 =	sadd.s32 @!p0 $0x100000, s1;
	[bflag:$0x2] =	sbarrier.arrive $0xFFFF  }
0x8a: {  	[sflag:s0] =	ssyncadd.tile.s32 @!p0 $0x1;
	_ =	shalt  }
.Lfunc_end2:
_tile_overlayer_lowered:
.L_overlay_start_2:
0x8b: {  	(tag) =	ssettag $0x2  }
0x8c: {  	s0 =	rddreg [dreg:$0x0];
	s2 =	stileid.u32  }
0x8d: {  	s1 =	rddreg [dreg:$0x1];
	p0 =	sne.s32 s2, $0x0  }
0x8e: {  	s3 =	rddreg [dreg:$0x2];
	[bflag:$0x3] =	sbarrier.arrive $0xFFFF;
	s2 =	simm.s32 @!p0 $0x1C02  }
0x8f: {  	[timem:s3], [sflag:s2] =	dma.local @!p0 [hbm:s0], s1  }
0x90: {  	s0 =	simm.s32 @!p0 $0x2  }
0x91: {  	_ =	swait.ge @!p0 [sflag:s0], s1  }
0x92: {  	s1 =	ssub.s32 @!p0 $0x0, s1;
	[sflag:s0] =	ssyncset.done @!p0 $0x0  }
0x93: {  	[sflag:s0] =	ssyncadd.s32 @!p0 s1  }
0x94: {  	[bflag:$0x3] =	sbarrier.arrive $0xFFFF  }
0x95: {  	_ =	shalt  }

</sc_bundles>
